<compile_context>
chip_gen: v7x
topology: tpu7x:2x2x1
jax: 0.10.2.dev20260603
libtpu: 0.0.44.dev20260713+nightly
codegen_flags: <defaults>
</compile_context>

<pallas_src>
import jax
import jax.numpy as jnp
from jax import lax
from jax.experimental import pallas as pl
from jax.experimental.pallas import tpu as pltpu
from jax.experimental.pallas import tpu_sc as plsc

N_POINTS = 2_000_000
CHUNK = 8_000
NW = 32
BASE_ITERS, EXTRA_CUTOFF = 7, 26
GROUPS = CHUNK // 16

MAGIC = 12582912.0


def _sc_body(xs_hbm, ys_hbm, zs_hbm, maskw_hbm, params_hbm, out_hbm,
             xs_v, ys_v, zs_v, widx_v, aux_v, words_v, out_v, params_v,
             sem_a, sem_b):
    wid = lax.axis_index("s") * 2 + lax.axis_index("c")

    pltpu.sync_copy(params_hbm, params_v)
    sx = params_v[pl.ds(0, 16)]
    sy = params_v[pl.ds(16, 16)]
    sz = params_v[pl.ds(32, 16)]
    hx = params_v[pl.ds(48, 16)]
    hy = params_v[pl.ds(64, 16)]
    hz = params_v[pl.ds(80, 16)]

    def compute_chunk(base, par):
        pltpu.sync_copy(xs_hbm.at[pl.ds(base, CHUNK)], xs_v)
        pltpu.sync_copy(ys_hbm.at[pl.ds(base, CHUNK)], ys_v)
        pltpu.sync_copy(zs_hbm.at[pl.ds(base, CHUNK)], zs_v)

        def compute(g, _):
            off = g * 16
            x = xs_v[pl.ds(off, 16)]
            y = ys_v[pl.ds(off, 16)]
            z = zs_v[pl.ds(off, 16)]
            fx = x * sx + hx
            fy = y * sy + hy
            fz = z * sz + hz
            rx = (fx + MAGIC) - MAGIC
            ry = (fy + MAGIC) - MAGIC
            rz = (fz + MAGIC) - MAGIC
            ix = jnp.clip(rx, 0.0, 255.0).astype(jnp.int32)
            iy = jnp.clip(ry, 0.0, 255.0).astype(jnp.int32)
            iz = jnp.clip(rz, 0.0, 255.0).astype(jnp.int32)
            w = (ix << 14) | ((iy >> 2) << 8) | iz
            shf = (iy & 3) << 3
            widx_v[pl.ds(par + off, 16)] = w
            aux_v[pl.ds(par + off, 16)] = shf
            return 0

        lax.fori_loop(0, GROUPS, compute, 0)

        @pl.when(par == 0)
        def _():
            pltpu.async_copy(maskw_hbm.at[widx_v.at[pl.ds(0, CHUNK)]],
                             words_v.at[pl.ds(0, CHUNK)], sem_a)

        @pl.when(par != 0)
        def _():
            pltpu.async_copy(maskw_hbm.at[widx_v.at[pl.ds(CHUNK, CHUNK)]],
                             words_v.at[pl.ds(CHUNK, CHUNK)], sem_b)

    def drain_chunk(base, par):
        @pl.when(par == 0)
        def _():
            pltpu.make_async_copy(maskw_hbm.at[widx_v.at[pl.ds(0, CHUNK)]],
                                  words_v.at[pl.ds(0, CHUNK)], sem_a).wait()

        @pl.when(par != 0)
        def _():
            pltpu.make_async_copy(maskw_hbm.at[widx_v.at[pl.ds(CHUNK, CHUNK)]],
                                  words_v.at[pl.ds(CHUNK, CHUNK)], sem_b).wait()

        def extract(g, _):
            off = g * 16
            word = words_v[pl.ds(par + off, 16)]
            aux = aux_v[pl.ds(par + off, 16)]
            out_v[pl.ds(off, 16)] = lax.shift_right_logical(word, aux) & 1
            return 0

        lax.fori_loop(0, GROUPS, extract, 0)
        pltpu.sync_copy(out_v, out_hbm.at[pl.ds(base, CHUNK)])

    n_iters = BASE_ITERS + jnp.where(wid < EXTRA_CUTOFF, 1, 0)

    def do_chunk(i, _):
        par = lax.rem(i, 2) * CHUNK
        compute_chunk((wid + NW * i) * CHUNK, par)

        @pl.when(i > 0)
        def _():
            drain_chunk((wid + NW * (i - 1)) * CHUNK, CHUNK - par)
        return 0

    lax.fori_loop(0, n_iters, do_chunk, 0)
    last = n_iters - 1
    drain_chunk((wid + NW * last) * CHUNK, lax.rem(last, 2) * CHUNK)


@jax.jit
def _sc_call(xs, ys, zs, maskw, params):
    mesh = plsc.VectorSubcoreMesh(core_axis_name="c", subcore_axis_name="s")
    return pl.kernel(
        _sc_body,
        out_type=jax.ShapeDtypeStruct((N_POINTS,), jnp.int32),
        mesh=mesh,
        scratch_types=[
            pltpu.VMEM((CHUNK,), jnp.float32),
            pltpu.VMEM((CHUNK,), jnp.float32),
            pltpu.VMEM((CHUNK,), jnp.float32),
            pltpu.VMEM((2 * CHUNK,), jnp.int32),
            pltpu.VMEM((2 * CHUNK,), jnp.int32),
            pltpu.VMEM((2 * CHUNK,), jnp.int32),
            pltpu.VMEM((CHUNK,), jnp.int32),
            pltpu.VMEM((96,), jnp.float32),
            pltpu.SemaphoreType.DMA,
            pltpu.SemaphoreType.DMA,
        ],
        compiler_params=pltpu.CompilerParams(needs_layout_passes=False),
    )(xs, ys, zs, maskw, params)


def kernel(xyz, mask, xyz2ijk_scale, xyz2ijk_shift):
    xs = xyz[:, 0]
    ys = xyz[:, 1]
    zs = xyz[:, 2]
    shifts = jnp.array([1, 1 << 8, 1 << 16, 1 << 24], jnp.int32)
    maskw = (mask.reshape(256, 64, 4, 256).transpose(0, 1, 3, 2)
             .reshape(-1, 4).astype(jnp.int32) * shifts).sum(axis=1)
    params = jnp.repeat(
        jnp.concatenate([xyz2ijk_scale.astype(jnp.float32),
                         xyz2ijk_shift.astype(jnp.float32)]), 16)
    out_w = _sc_call(xs, ys, zs, maskw, params)
    return out_w.astype(jnp.bool_)

# --- scband reference (transcript-rebuilt; emitter-appended) ---
"""Pipeline reference for scband-mask-grid-979252544016 (READ-ONLY COPY).

The authoritative reference and input builder live on the scoring server;
editing this copy changes nothing except your own understanding.
"""

import jax, jax.numpy as jnp
import numpy as np

GRID = (256, 256, 256)
XYZ_MIN = jnp.array([-1.0, -1.0, -1.0], dtype=jnp.float32)
XYZ_MAX = jnp.array([1.0, 1.0, 1.0], dtype=jnp.float32)


def setup_inputs(seed: int = 0) -> dict:
    key = jax.random.key(seed)
    k_xyz, k_mask = jax.random.split(key)
    xyz = jax.random.uniform(k_xyz, (2000000, 3), dtype=jnp.float32)
    mask = jax.random.bernoulli(k_mask, 0.5, GRID)
    mid = jnp.array([GRID[0] - 1, GRID[1] - 1, GRID[2] - 1], dtype=jnp.float32)
    xyz_len = XYZ_MAX - XYZ_MIN
    xyz2ijk_scale = mid / xyz_len
    xyz2ijk_shift = -XYZ_MIN * xyz2ijk_scale
    return {"xyz": xyz, "mask": mask, "xyz2ijk_scale": xyz2ijk_scale, "xyz2ijk_shift": xyz2ijk_shift}


def reference(xyz, mask, xyz2ijk_scale, xyz2ijk_shift):
    shape = xyz.shape[:-1]
    xyz_flat = xyz.reshape(-1, 3)
    ijk = jnp.round(xyz_flat * xyz2ijk_scale + xyz2ijk_shift).astype(jnp.int64)
    s0, s1, s2 = mask.shape
    valid = (
        (ijk[:, 0] >= 0) & (ijk[:, 0] < s0)
        & (ijk[:, 1] >= 0) & (ijk[:, 1] < s1)
        & (ijk[:, 2] >= 0) & (ijk[:, 2] < s2)
    )
    flat_index = ijk[:, 0] * (s1 * s2) + ijk[:, 1] * s2 + ijk[:, 2]
    flat_index_safe = jnp.where(valid, flat_index, 0)
    gathered = jnp.take(mask.reshape(-1), flat_index_safe, axis=0)
    out = jnp.where(valid, gathered, False)
    return out.reshape(shape)

if __name__ == "__main__":
    import jax
    _d = setup_inputs()
    print(jax.jit(kernel)(*tuple(_d.values())))

</pallas_src>

<mosaic_0001>
#map = affine_map<(d0, d1) -> (0)>
module attributes {stable_mosaic.version = 14 : i64} {
  func.func @_sc_body(%arg0: i32, %arg1: i32, %arg2: memref<2000000xf32, #tpu.memory_space<hbm>>, %arg3: memref<2000000xf32, #tpu.memory_space<hbm>>, %arg4: memref<2000000xf32, #tpu.memory_space<hbm>>, %arg5: memref<4194304xi32, #tpu.memory_space<hbm>>, %arg6: memref<96xf32, #tpu.memory_space<hbm>>, %arg7: memref<2000000xi32, #tpu.memory_space<hbm>>, %arg8: memref<8000xf32, #tpu.memory_space<vmem>>, %arg9: memref<8000xf32, #tpu.memory_space<vmem>>, %arg10: memref<8000xf32, #tpu.memory_space<vmem>>, %arg11: memref<16000xi32, #tpu.memory_space<vmem>>, %arg12: memref<16000xi32, #tpu.memory_space<vmem>>, %arg13: memref<16000xi32, #tpu.memory_space<vmem>>, %arg14: memref<8000xi32, #tpu.memory_space<vmem>>, %arg15: memref<96xf32, #tpu.memory_space<vmem>>, %arg16: memref<!tpu.dma_semaphore, #tpu.memory_space<semaphore_mem>>, %arg17: memref<!tpu.dma_semaphore, #tpu.memory_space<semaphore_mem>>) attributes {dimension_semantics = [#tpu.dimension_semantics<core_parallel>, #tpu.dimension_semantics<subcore_parallel>], iteration_bounds = array<i64: 2, 16>, scalar_prefetch = 0 : i64, scratch_operands = 10 : i64, tpu.core_type = #tpu.core_type<sc_vector_subcore>, window_params = [{transform_indices = #map}, {transform_indices = #map}, {transform_indices = #map}, {transform_indices = #map}, {transform_indices = #map}, {transform_indices = #map}]} {
    %mul3A = arith.constant 2 : i32
    %mul3A_0 = arith.muli %arg1, %mul3A : i32
    %add3A = arith.addi %mul3A_0, %arg0 : i32
    "tpu.region"() ({
      %run_scoped3A = tpu.sem_alloc : memref<!tpu.dma_semaphore, #tpu.memory_space<semaphore_mem>>
      tpu.enqueue_dma source(%arg6 : memref<96xf32, #tpu.memory_space<hbm>>) target(%arg15 : memref<96xf32, #tpu.memory_space<vmem>>) target_semaphore(%run_scoped3A : memref<!tpu.dma_semaphore, #tpu.memory_space<semaphore_mem>>)
      tpu.wait_dma2 semaphore(%run_scoped3A : memref<!tpu.dma_semaphore, #tpu.memory_space<semaphore_mem>>) src(%arg6 : memref<96xf32, #tpu.memory_space<hbm>>) dst(%arg15 : memref<96xf32, #tpu.memory_space<vmem>>)
      tpu.yield
    }) : () -> ()
    %get3A = arith.constant 0 : index
    %get3A_1 = tpu.vector_load %arg15[%get3A] {strides = array<i32>} : memref<96xf32, #tpu.memory_space<vmem>>, vector<16xf32>,
    %get3A_2 = arith.constant 16 : index
    %get3A_3 = tpu.vector_load %arg15[%get3A_2] {strides = array<i32>} : memref<96xf32, #tpu.memory_space<vmem>>, vector<16xf32>,
    %get3A_4 = arith.constant 32 : index
    %get3A_5 = tpu.vector_load %arg15[%get3A_4] {strides = array<i32>} : memref<96xf32, #tpu.memory_space<vmem>>, vector<16xf32>,
    %get3A_6 = arith.constant 48 : index
    %get3A_7 = tpu.vector_load %arg15[%get3A_6] {strides = array<i32>} : memref<96xf32, #tpu.memory_space<vmem>>, vector<16xf32>,
    %get3A_8 = arith.constant 64 : index
    %get3A_9 = tpu.vector_load %arg15[%get3A_8] {strides = array<i32>} : memref<96xf32, #tpu.memory_space<vmem>>, vector<16xf32>,
    %get3A_10 = arith.constant 80 : index
    %get3A_11 = tpu.vector_load %arg15[%get3A_10] {strides = array<i32>} : memref<96xf32, #tpu.memory_space<vmem>>, vector<16xf32>,
    %lt3A = arith.constant 26 : i32
    %lt3A_12 = arith.cmpi slt, %add3A, %lt3A : i32
    %jit3A = arith.constant 1 : i32
    %jit3A_13 = arith.constant 0 : i32
    %select_n3A = arith.select %lt3A_12, %jit3A, %jit3A_13 : i32
    %add3A_14 = arith.constant 7 : i32
    %add3A_15 = arith.addi %add3A_14, %select_n3A : i32
    %while3A = arith.constant 0 : i32
    %while3A_16 = arith.constant 0 : i32
    %while3A_17 = arith.subi %add3A_15, %while3A : i32
    %while3A_18 = arith.addi %while3A, %while3A_17 : i32
    %while3A_19 = arith.constant 1 : i32
    %while3A_20 = arith.divsi %while3A_17, %while3A_19 : i32
    %while3A_21 = arith.muli %while3A_20, %while3A_19 : i32
    %while3A_22 = arith.addi %while3A, %while3A_21 : i32
    %while3A_23 = arith.constant 1 : i32
    %while3A_24 = scf.for %while3A_48 = %while3A to %while3A_22 step %while3A_23 iter_args(%while3A_49 = %while3A_16) -> (i32)  : i32 {
      %rem3A_50 = arith.constant 2 : i32
      %rem3A_51 = arith.remsi %while3A_48, %rem3A_50 : i32
      %mul3A_52 = arith.constant 8000 : i32
      %mul3A_53 = arith.muli %rem3A_51, %mul3A_52 : i32
      %mul3A_54 = arith.constant 32 : i32
      %mul3A_55 = arith.muli %mul3A_54, %while3A_48 : i32
      %add3A_56 = arith.addi %add3A, %mul3A_55 : i32
      %mul3A_57 = arith.constant 8000 : i32
      %mul3A_58 = arith.muli %add3A_56, %mul3A_57 : i32
      "tpu.region"() ({
        %run_scoped3A = tpu.sem_alloc : memref<!tpu.dma_semaphore, #tpu.memory_space<semaphore_mem>>
        %dma_start3A = tpu.memref_slice %arg2[%mul3A_58] : memref<2000000xf32, #tpu.memory_space<hbm>> -> memref<8000xf32, #tpu.memory_space<hbm>>
        %dma_start3A_81 = tpu.memref_slice %arg2[%mul3A_58] : memref<2000000xf32, #tpu.memory_space<hbm>> -> memref<8000xf32, #tpu.memory_space<hbm>>
        tpu.enqueue_dma source(%dma_start3A_81 : memref<8000xf32, #tpu.memory_space<hbm>>) target(%arg8 : memref<8000xf32, #tpu.memory_space<vmem>>) target_semaphore(%run_scoped3A : memref<!tpu.dma_semaphore, #tpu.memory_space<semaphore_mem>>)
        %dma_wait3A = tpu.memref_slice %arg2[%mul3A_58] : memref<2000000xf32, #tpu.memory_space<hbm>> -> memref<8000xf32, #tpu.memory_space<hbm>>
        %dma_wait3A_82 = tpu.memref_slice %arg2[%mul3A_58] : memref<2000000xf32, #tpu.memory_space<hbm>> -> memref<8000xf32, #tpu.memory_space<hbm>>
        tpu.wait_dma2 semaphore(%run_scoped3A : memref<!tpu.dma_semaphore, #tpu.memory_space<semaphore_mem>>) src(%dma_wait3A_82 : memref<8000xf32, #tpu.memory_space<hbm>>) dst(%arg8 : memref<8000xf32, #tpu.memory_space<vmem>>)
        tpu.yield
      }) : () -> ()
      "tpu.region"() ({
        %run_scoped3A = tpu.sem_alloc : memref<!tpu.dma_semaphore, #tpu.memory_space<semaphore_mem>>
        %dma_start3A = tpu.memref_slice %arg3[%mul3A_58] : memref<2000000xf32, #tpu.memory_space<hbm>> -> memref<8000xf32, #tpu.memory_space<hbm>>
        %dma_start3A_81 = tpu.memref_slice %arg3[%mul3A_58] : memref<2000000xf32, #tpu.memory_space<hbm>> -> memref<8000xf32, #tpu.memory_space<hbm>>
        tpu.enqueue_dma source(%dma_start3A_81 : memref<8000xf32, #tpu.memory_space<hbm>>) target(%arg9 : memref<8000xf32, #tpu.memory_space<vmem>>) target_semaphore(%run_scoped3A : memref<!tpu.dma_semaphore, #tpu.memory_space<semaphore_mem>>)
        %dma_wait3A = tpu.memref_slice %arg3[%mul3A_58] : memref<2000000xf32, #tpu.memory_space<hbm>> -> memref<8000xf32, #tpu.memory_space<hbm>>
        %dma_wait3A_82 = tpu.memref_slice %arg3[%mul3A_58] : memref<2000000xf32, #tpu.memory_space<hbm>> -> memref<8000xf32, #tpu.memory_space<hbm>>
        tpu.wait_dma2 semaphore(%run_scoped3A : memref<!tpu.dma_semaphore, #tpu.memory_space<semaphore_mem>>) src(%dma_wait3A_82 : memref<8000xf32, #tpu.memory_space<hbm>>) dst(%arg9 : memref<8000xf32, #tpu.memory_space<vmem>>)
        tpu.yield
      }) : () -> ()
      "tpu.region"() ({
        %run_scoped3A = tpu.sem_alloc : memref<!tpu.dma_semaphore, #tpu.memory_space<semaphore_mem>>
        %dma_start3A = tpu.memref_slice %arg4[%mul3A_58] : memref<2000000xf32, #tpu.memory_space<hbm>> -> memref<8000xf32, #tpu.memory_space<hbm>>
        %dma_start3A_81 = tpu.memref_slice %arg4[%mul3A_58] : memref<2000000xf32, #tpu.memory_space<hbm>> -> memref<8000xf32, #tpu.memory_space<hbm>>
        tpu.enqueue_dma source(%dma_start3A_81 : memref<8000xf32, #tpu.memory_space<hbm>>) target(%arg10 : memref<8000xf32, #tpu.memory_space<vmem>>) target_semaphore(%run_scoped3A : memref<!tpu.dma_semaphore, #tpu.memory_space<semaphore_mem>>)
        %dma_wait3A = tpu.memref_slice %arg4[%mul3A_58] : memref<2000000xf32, #tpu.memory_space<hbm>> -> memref<8000xf32, #tpu.memory_space<hbm>>
        %dma_wait3A_82 = tpu.memref_slice %arg4[%mul3A_58] : memref<2000000xf32, #tpu.memory_space<hbm>> -> memref<8000xf32, #tpu.memory_space<hbm>>
        tpu.wait_dma2 semaphore(%run_scoped3A : memref<!tpu.dma_semaphore, #tpu.memory_space<semaphore_mem>>) src(%dma_wait3A_82 : memref<8000xf32, #tpu.memory_space<hbm>>) dst(%arg10 : memref<8000xf32, #tpu.memory_space<vmem>>)
        tpu.yield
      }) : () -> ()
      %scan3A_59 = arith.constant 0 : i32
      %scan3A_60 = arith.constant 0 : i32
      %scan3A_61 = arith.constant 500 : i32
      %scan3A_62 = arith.addi %scan3A_60, %scan3A_61 : i32
      %scan3A_63 = arith.constant 1 : i32
      %scan3A_64 = scf.for %scan3A_81 = %scan3A_60 to %scan3A_62 step %scan3A_63 iter_args(%scan3A_82 = %scan3A_59) -> (i32)  : i32 {
        %mul3A_83 = arith.constant 16 : i32
        %mul3A_84 = arith.muli %scan3A_81, %mul3A_83 : i32
        %get3A_85 = arith.index_cast %mul3A_84 : i32 to index
        %get3A_86 = tpu.vector_load %arg8[%get3A_85] {strides = array<i32>} : memref<8000xf32, #tpu.memory_space<vmem>>, vector<16xf32>,
        %get3A_87 = arith.index_cast %mul3A_84 : i32 to index
        %get3A_88 = tpu.vector_load %arg9[%get3A_87] {strides = array<i32>} : memref<8000xf32, #tpu.memory_space<vmem>>, vector<16xf32>,
        %get3A_89 = arith.index_cast %mul3A_84 : i32 to index
        %get3A_90 = tpu.vector_load %arg10[%get3A_89] {strides = array<i32>} : memref<8000xf32, #tpu.memory_space<vmem>>, vector<16xf32>,
        %mul3A_91 = arith.mulf %get3A_86, %get3A_1 : vector<16xf32>
        %add3A_92 = arith.addf %mul3A_91, %get3A_7 : vector<16xf32>
        %mul3A_93 = arith.mulf %get3A_88, %get3A_3 : vector<16xf32>
        %add3A_94 = arith.addf %mul3A_93, %get3A_9 : vector<16xf32>
        %mul3A_95 = arith.mulf %get3A_90, %get3A_5 : vector<16xf32>
        %add3A_96 = arith.addf %mul3A_95, %get3A_11 : vector<16xf32>
        %add3A_97 = arith.constant 0x4B400000 : f32
        %add3A_98 = vector.broadcast %add3A_97 : f32 to vector<16xf32>
        %add3A_99 = arith.addf %add3A_92, %add3A_98 : vector<16xf32>
        %sub3A_100 = arith.constant 0x4B400000 : f32
        %sub3A_101 = vector.broadcast %sub3A_100 : f32 to vector<16xf32>
        %sub3A_102 = arith.subf %add3A_99, %sub3A_101 : vector<16xf32>
        %add3A_103 = arith.constant 0x4B400000 : f32
        %add3A_104 = vector.broadcast %add3A_103 : f32 to vector<16xf32>
        %add3A_105 = arith.addf %add3A_94, %add3A_104 : vector<16xf32>
        %sub3A_106 = arith.constant 0x4B400000 : f32
        %sub3A_107 = vector.broadcast %sub3A_106 : f32 to vector<16xf32>
        %sub3A_108 = arith.subf %add3A_105, %sub3A_107 : vector<16xf32>
        %add3A_109 = arith.constant 0x4B400000 : f32
        %add3A_110 = vector.broadcast %add3A_109 : f32 to vector<16xf32>
        %add3A_111 = arith.addf %add3A_96, %add3A_110 : vector<16xf32>
        %sub3A_112 = arith.constant 0x4B400000 : f32
        %sub3A_113 = vector.broadcast %sub3A_112 : f32 to vector<16xf32>
        %sub3A_114 = arith.subf %add3A_111, %sub3A_113 : vector<16xf32>
        %jit3A_115 = arith.constant 0.000000e+00 : f32
        %jit3A_116 = arith.constant 2.550000e+02 : f32
        %max3A = vector.broadcast %jit3A_115 : f32 to vector<16xf32>
        %max3A_117 = arith.maximumf %max3A, %sub3A_102 : vector<16xf32>
        %min3A = vector.broadcast %jit3A_116 : f32 to vector<16xf32>
        %min3A_118 = arith.minimumf %min3A, %max3A_117 : vector<16xf32>
        %convert_element_type3A_119 = arith.fptosi %min3A_118 : vector<16xf32> to vector<16xi32>
        %jit3A_120 = arith.constant 0.000000e+00 : f32
        %jit3A_121 = arith.constant 2.550000e+02 : f32
        %max3A_122 = vector.broadcast %jit3A_120 : f32 to vector<16xf32>
        %max3A_123 = arith.maximumf %max3A_122, %sub3A_108 : vector<16xf32>
        %min3A_124 = vector.broadcast %jit3A_121 : f32 to vector<16xf32>
        %min3A_125 = arith.minimumf %min3A_124, %max3A_123 : vector<16xf32>
        %convert_element_type3A_126 = arith.fptosi %min3A_125 : vector<16xf32> to vector<16xi32>
        %jit3A_127 = arith.constant 0.000000e+00 : f32
        %jit3A_128 = arith.constant 2.550000e+02 : f32
        %max3A_129 = vector.broadcast %jit3A_127 : f32 to vector<16xf32>
        %max3A_130 = arith.maximumf %max3A_129, %sub3A_114 : vector<16xf32>
        %min3A_131 = vector.broadcast %jit3A_128 : f32 to vector<16xf32>
        %min3A_132 = arith.minimumf %min3A_131, %max3A_130 : vector<16xf32>
        %convert_element_type3A_133 = arith.fptosi %min3A_132 : vector<16xf32> to vector<16xi32>
        %shift_left3A = arith.constant 14 : i32
        %shift_left3A_134 = vector.broadcast %shift_left3A : i32 to vector<16xi32>
        %shift_left3A_135 = arith.shli %convert_element_type3A_119, %shift_left3A_134 : vector<16xi32>
        %shift_right_arithmetic3A = arith.constant 2 : i32
        %shift_right_arithmetic3A_136 = vector.broadcast %shift_right_arithmetic3A : i32 to vector<16xi32>
        %shift_right_arithmetic3A_137 = arith.shrsi %convert_element_type3A_126, %shift_right_arithmetic3A_136 : vector<16xi32>
        %shift_left3A_138 = arith.constant 8 : i32
        %shift_left3A_139 = vector.broadcast %shift_left3A_138 : i32 to vector<16xi32>
        %shift_left3A_140 = arith.shli %shift_right_arithmetic3A_137, %shift_left3A_139 : vector<16xi32>
        %or3A = arith.ori %shift_left3A_135, %shift_left3A_140 : vector<16xi32>
        %or3A_141 = arith.ori %or3A, %convert_element_type3A_133 : vector<16xi32>
        %and3A = arith.constant 3 : i32
        %and3A_142 = vector.broadcast %and3A : i32 to vector<16xi32>
        %and3A_143 = arith.andi %convert_element_type3A_126, %and3A_142 : vector<16xi32>
        %shift_left3A_144 = arith.constant 3 : i32
        %shift_left3A_145 = vector.broadcast %shift_left3A_144 : i32 to vector<16xi32>
        %shift_left3A_146 = arith.shli %and3A_143, %shift_left3A_145 : vector<16xi32>
        %add3A_147 = arith.addi %mul3A_53, %mul3A_84 : i32
        %swap3A = arith.index_cast %add3A_147 : i32 to index
        %swap3A_148 = tpu.vector_load %arg11[%swap3A] {strides = array<i32>} : memref<16000xi32, #tpu.memory_space<vmem>>, vector<16xi32>,
        tpu.vector_store %arg11[%swap3A], %or3A_141 {strides = array<i32>} : memref<16000xi32, #tpu.memory_space<vmem>>, vector<16xi32>,
        %add3A_149 = arith.addi %mul3A_53, %mul3A_84 : i32
        %swap3A_150 = arith.index_cast %add3A_149 : i32 to index
        %swap3A_151 = tpu.vector_load %arg12[%swap3A_150] {strides = array<i32>} : memref<16000xi32, #tpu.memory_space<vmem>>, vector<16xi32>,
        tpu.vector_store %arg12[%swap3A_150], %shift_left3A_146 {strides = array<i32>} : memref<16000xi32, #tpu.memory_space<vmem>>, vector<16xi32>,
        %scan3A_152 = arith.constant 0 : i32
        scf.yield %scan3A_152 : i32
      }
      %scan3A_65 = arith.constant 500 : i32
      %eq3A_66 = arith.constant 0 : i32
      %eq3A_67 = arith.cmpi eq, %mul3A_53, %eq3A_66 : i32
      %convert_element_type3A_68 = arith.extui %eq3A_67 : i1 to i32
      %cond3A_69 = arith.constant 0 : i32
      %cond3A_70 = arith.cmpi ne, %convert_element_type3A_68, %cond3A_69 : i32
      scf.if %cond3A_70 {
        %dma_start3A = arith.constant 0 : i32
        %dma_start3A_81 = tpu.memref_slice %arg13[%dma_start3A] : memref<16000xi32, #tpu.memory_space<vmem>> -> memref<8000xi32, #tpu.memory_space<vmem>>
        %dma_start3A_82 = arith.constant 0 : i32
        %dma_start3A_83 = tpu.memref_slice %arg11[%dma_start3A_82] : memref<16000xi32, #tpu.memory_space<vmem>> -> memref<8000xi32, #tpu.memory_space<vmem>>
        %dma_start3A_84 = arith.constant 0 : i32
        %dma_start3A_85 = tpu.memref_slice %arg5[%dma_start3A_84] : memref<4194304xi32, #tpu.memory_space<hbm>> -> memref<4194304xi32, #tpu.memory_space<hbm>>
        tpu.enqueue_indirect_dma source(%dma_start3A_85 : memref<4194304xi32, #tpu.memory_space<hbm>>) target(%dma_start3A_81 : memref<8000xi32, #tpu.memory_space<vmem>>) offsets(%dma_start3A_83 : memref<8000xi32, #tpu.memory_space<vmem>>) semaphore(%arg16 : memref<!tpu.dma_semaphore, #tpu.memory_space<semaphore_mem>>)
      } else {
      }
      %ne3A_71 = arith.constant 0 : i32
      %ne3A_72 = arith.cmpi ne, %mul3A_53, %ne3A_71 : i32
      %convert_element_type3A_73 = arith.extui %ne3A_72 : i1 to i32
      %cond3A_74 = arith.constant 0 : i32
      %cond3A_75 = arith.cmpi ne, %convert_element_type3A_73, %cond3A_74 : i32
      scf.if %cond3A_75 {
        %dma_start3A = arith.constant 8000 : i32
        %dma_start3A_81 = tpu.memref_slice %arg13[%dma_start3A] : memref<16000xi32, #tpu.memory_space<vmem>> -> memref<8000xi32, #tpu.memory_space<vmem>>
        %dma_start3A_82 = arith.constant 8000 : i32
        %dma_start3A_83 = tpu.memref_slice %arg11[%dma_start3A_82] : memref<16000xi32, #tpu.memory_space<vmem>> -> memref<8000xi32, #tpu.memory_space<vmem>>
        %dma_start3A_84 = arith.constant 0 : i32
        %dma_start3A_85 = tpu.memref_slice %arg5[%dma_start3A_84] : memref<4194304xi32, #tpu.memory_space<hbm>> -> memref<4194304xi32, #tpu.memory_space<hbm>>
        tpu.enqueue_indirect_dma source(%dma_start3A_85 : memref<4194304xi32, #tpu.memory_space<hbm>>) target(%dma_start3A_81 : memref<8000xi32, #tpu.memory_space<vmem>>) offsets(%dma_start3A_83 : memref<8000xi32, #tpu.memory_space<vmem>>) semaphore(%arg17 : memref<!tpu.dma_semaphore, #tpu.memory_space<semaphore_mem>>)
      } else {
      }
      %gt3A = arith.constant 0 : i32
      %gt3A_76 = arith.cmpi sgt, %while3A_48, %gt3A : i32
      %convert_element_type3A_77 = arith.extui %gt3A_76 : i1 to i32
      %cond3A_78 = arith.constant 0 : i32
      %cond3A_79 = arith.cmpi ne, %convert_element_type3A_77, %cond3A_78 : i32
      scf.if %cond3A_79 {
        %sub3A_81 = arith.constant 1 : i32
        %sub3A_82 = arith.subi %while3A_48, %sub3A_81 : i32
        %mul3A_83 = arith.constant 32 : i32
        %mul3A_84 = arith.muli %mul3A_83, %sub3A_82 : i32
        %add3A_85 = arith.addi %add3A, %mul3A_84 : i32
        %mul3A_86 = arith.constant 8000 : i32
        %mul3A_87 = arith.muli %add3A_85, %mul3A_86 : i32
        %sub3A_88 = arith.constant 8000 : i32
        %sub3A_89 = arith.subi %sub3A_88, %mul3A_53 : i32
        %eq3A_90 = arith.constant 0 : i32
        %eq3A_91 = arith.cmpi eq, %sub3A_89, %eq3A_90 : i32
        %convert_element_type3A_92 = arith.extui %eq3A_91 : i1 to i32
        %cond3A_93 = arith.constant 0 : i32
        %cond3A_94 = arith.cmpi ne, %convert_element_type3A_92, %cond3A_93 : i32
        scf.if %cond3A_94 {
          %dma_wait3A = arith.constant 0 : i32
          %dma_wait3A_107 = tpu.memref_slice %arg13[%dma_wait3A] : memref<16000xi32, #tpu.memory_space<vmem>> -> memref<8000xi32, #tpu.memory_space<vmem>>
          %dma_wait3A_108 = arith.constant 0 : i32
          %dma_wait3A_109 = tpu.memref_slice %arg11[%dma_wait3A_108] : memref<16000xi32, #tpu.memory_space<vmem>> -> memref<8000xi32, #tpu.memory_space<vmem>>
          %dma_wait3A_110 = arith.constant 0 : i32
          %dma_wait3A_111 = tpu.memref_slice %arg5[%dma_wait3A_110] : memref<4194304xi32, #tpu.memory_space<hbm>> -> memref<4194304xi32, #tpu.memory_space<hbm>>
          tpu.wait_indirect_dma semaphore(%arg16 : memref<!tpu.dma_semaphore, #tpu.memory_space<semaphore_mem>>) src(%dma_wait3A_111 : memref<4194304xi32, #tpu.memory_space<hbm>>) dst(%dma_wait3A_107 : memref<8000xi32, #tpu.memory_space<vmem>>)
        } else {
        }
        %ne3A_95 = arith.constant 0 : i32
        %ne3A_96 = arith.cmpi ne, %sub3A_89, %ne3A_95 : i32
        %convert_element_type3A_97 = arith.extui %ne3A_96 : i1 to i32
        %cond3A_98 = arith.constant 0 : i32
        %cond3A_99 = arith.cmpi ne, %convert_element_type3A_97, %cond3A_98 : i32
        scf.if %cond3A_99 {
          %dma_wait3A = arith.constant 8000 : i32
          %dma_wait3A_107 = tpu.memref_slice %arg13[%dma_wait3A] : memref<16000xi32, #tpu.memory_space<vmem>> -> memref<8000xi32, #tpu.memory_space<vmem>>
          %dma_wait3A_108 = arith.constant 8000 : i32
          %dma_wait3A_109 = tpu.memref_slice %arg11[%dma_wait3A_108] : memref<16000xi32, #tpu.memory_space<vmem>> -> memref<8000xi32, #tpu.memory_space<vmem>>
          %dma_wait3A_110 = arith.constant 0 : i32
          %dma_wait3A_111 = tpu.memref_slice %arg5[%dma_wait3A_110] : memref<4194304xi32, #tpu.memory_space<hbm>> -> memref<4194304xi32, #tpu.memory_space<hbm>>
          tpu.wait_indirect_dma semaphore(%arg17 : memref<!tpu.dma_semaphore, #tpu.memory_space<semaphore_mem>>) src(%dma_wait3A_111 : memref<4194304xi32, #tpu.memory_space<hbm>>) dst(%dma_wait3A_107 : memref<8000xi32, #tpu.memory_space<vmem>>)
        } else {
        }
        %scan3A_100 = arith.constant 0 : i32
        %scan3A_101 = arith.constant 0 : i32
        %scan3A_102 = arith.constant 500 : i32
        %scan3A_103 = arith.addi %scan3A_101, %scan3A_102 : i32
        %scan3A_104 = arith.constant 1 : i32
        %scan3A_105 = scf.for %scan3A_107 = %scan3A_101 to %scan3A_103 step %scan3A_104 iter_args(%scan3A_108 = %scan3A_100) -> (i32)  : i32 {
          %mul3A_109 = arith.constant 16 : i32
          %mul3A_110 = arith.muli %scan3A_107, %mul3A_109 : i32
          %add3A_111 = arith.addi %sub3A_89, %mul3A_110 : i32
          %get3A_112 = arith.index_cast %add3A_111 : i32 to index
          %get3A_113 = tpu.vector_load %arg13[%get3A_112] {strides = array<i32>} : memref<16000xi32, #tpu.memory_space<vmem>>, vector<16xi32>,
          %add3A_114 = arith.addi %sub3A_89, %mul3A_110 : i32
          %get3A_115 = arith.index_cast %add3A_114 : i32 to index
          %get3A_116 = tpu.vector_load %arg12[%get3A_115] {strides = array<i32>} : memref<16000xi32, #tpu.memory_space<vmem>>, vector<16xi32>,
          %shift_right_logical3A = arith.shrui %get3A_113, %get3A_116 : vector<16xi32>
          %and3A = arith.constant 1 : i32
          %and3A_117 = vector.broadcast %and3A : i32 to vector<16xi32>
          %and3A_118 = arith.andi %shift_right_logical3A, %and3A_117 : vector<16xi32>
          %swap3A = arith.index_cast %mul3A_110 : i32 to index
          %swap3A_119 = tpu.vector_load %arg14[%swap3A] {strides = array<i32>} : memref<8000xi32, #tpu.memory_space<vmem>>, vector<16xi32>,
          tpu.vector_store %arg14[%swap3A], %and3A_118 {strides = array<i32>} : memref<8000xi32, #tpu.memory_space<vmem>>, vector<16xi32>,
          %scan3A_120 = arith.constant 0 : i32
          scf.yield %scan3A_120 : i32
        }
        %scan3A_106 = arith.constant 500 : i32
        "tpu.region"() ({
          %run_scoped3A = tpu.sem_alloc : memref<!tpu.dma_semaphore, #tpu.memory_space<semaphore_mem>>
          %dma_start3A = tpu.memref_slice %arg7[%mul3A_87] : memref<2000000xi32, #tpu.memory_space<hbm>> -> memref<8000xi32, #tpu.memory_space<hbm>>
          %dma_start3A_107 = tpu.memref_slice %arg7[%mul3A_87] : memref<2000000xi32, #tpu.memory_space<hbm>> -> memref<8000xi32, #tpu.memory_space<hbm>>
          tpu.enqueue_dma source(%arg14 : memref<8000xi32, #tpu.memory_space<vmem>>) target(%dma_start3A_107 : memref<8000xi32, #tpu.memory_space<hbm>>) target_semaphore(%run_scoped3A : memref<!tpu.dma_semaphore, #tpu.memory_space<semaphore_mem>>)
          %dma_wait3A = tpu.memref_slice %arg7[%mul3A_87] : memref<2000000xi32, #tpu.memory_space<hbm>> -> memref<8000xi32, #tpu.memory_space<hbm>>
          %dma_wait3A_108 = tpu.memref_slice %arg7[%mul3A_87] : memref<2000000xi32, #tpu.memory_space<hbm>> -> memref<8000xi32, #tpu.memory_space<hbm>>
          tpu.wait_dma2 semaphore(%run_scoped3A : memref<!tpu.dma_semaphore, #tpu.memory_space<semaphore_mem>>) src(%arg14 : memref<8000xi32, #tpu.memory_space<vmem>>) dst(%dma_wait3A_108 : memref<8000xi32, #tpu.memory_space<hbm>>)
          tpu.yield
        }) : () -> ()
      } else {
      }
      %while3A_80 = arith.constant 0 : i32
      scf.yield %while3A_80 : i32
    }
    %while3A_25 = arith.constant 1 : i32
    %while3A_26 = scf.for %while3A_48 = %while3A_22 to %while3A_18 step %while3A_25 iter_args(%while3A_49 = %while3A_24) -> (i32)  : i32 {
      %rem3A_50 = arith.constant 2 : i32
      %rem3A_51 = arith.remsi %while3A_48, %rem3A_50 : i32
      %mul3A_52 = arith.constant 8000 : i32
      %mul3A_53 = arith.muli %rem3A_51, %mul3A_52 : i32
      %mul3A_54 = arith.constant 32 : i32
      %mul3A_55 = arith.muli %mul3A_54, %while3A_48 : i32
      %add3A_56 = arith.addi %add3A, %mul3A_55 : i32
      %mul3A_57 = arith.constant 8000 : i32
      %mul3A_58 = arith.muli %add3A_56, %mul3A_57 : i32
      "tpu.region"() ({
        %run_scoped3A = tpu.sem_alloc : memref<!tpu.dma_semaphore, #tpu.memory_space<semaphore_mem>>
        %dma_start3A = tpu.memref_slice %arg2[%mul3A_58] : memref<2000000xf32, #tpu.memory_space<hbm>> -> memref<8000xf32, #tpu.memory_space<hbm>>
        %dma_start3A_81 = tpu.memref_slice %arg2[%mul3A_58] : memref<2000000xf32, #tpu.memory_space<hbm>> -> memref<8000xf32, #tpu.memory_space<hbm>>
        tpu.enqueue_dma source(%dma_start3A_81 : memref<8000xf32, #tpu.memory_space<hbm>>) target(%arg8 : memref<8000xf32, #tpu.memory_space<vmem>>) target_semaphore(%run_scoped3A : memref<!tpu.dma_semaphore, #tpu.memory_space<semaphore_mem>>)
        %dma_wait3A = tpu.memref_slice %arg2[%mul3A_58] : memref<2000000xf32, #tpu.memory_space<hbm>> -> memref<8000xf32, #tpu.memory_space<hbm>>
        %dma_wait3A_82 = tpu.memref_slice %arg2[%mul3A_58] : memref<2000000xf32, #tpu.memory_space<hbm>> -> memref<8000xf32, #tpu.memory_space<hbm>>
        tpu.wait_dma2 semaphore(%run_scoped3A : memref<!tpu.dma_semaphore, #tpu.memory_space<semaphore_mem>>) src(%dma_wait3A_82 : memref<8000xf32, #tpu.memory_space<hbm>>) dst(%arg8 : memref<8000xf32, #tpu.memory_space<vmem>>)
        tpu.yield
      }) : () -> ()
      "tpu.region"() ({
        %run_scoped3A = tpu.sem_alloc : memref<!tpu.dma_semaphore, #tpu.memory_space<semaphore_mem>>
        %dma_start3A = tpu.memref_slice %arg3[%mul3A_58] : memref<2000000xf32, #tpu.memory_space<hbm>> -> memref<8000xf32, #tpu.memory_space<hbm>>
        %dma_start3A_81 = tpu.memref_slice %arg3[%mul3A_58] : memref<2000000xf32, #tpu.memory_space<hbm>> -> memref<8000xf32, #tpu.memory_space<hbm>>
        tpu.enqueue_dma source(%dma_start3A_81 : memref<8000xf32, #tpu.memory_space<hbm>>) target(%arg9 : memref<8000xf32, #tpu.memory_space<vmem>>) target_semaphore(%run_scoped3A : memref<!tpu.dma_semaphore, #tpu.memory_space<semaphore_mem>>)
        %dma_wait3A = tpu.memref_slice %arg3[%mul3A_58] : memref<2000000xf32, #tpu.memory_space<hbm>> -> memref<8000xf32, #tpu.memory_space<hbm>>
        %dma_wait3A_82 = tpu.memref_slice %arg3[%mul3A_58] : memref<2000000xf32, #tpu.memory_space<hbm>> -> memref<8000xf32, #tpu.memory_space<hbm>>
        tpu.wait_dma2 semaphore(%run_scoped3A : memref<!tpu.dma_semaphore, #tpu.memory_space<semaphore_mem>>) src(%dma_wait3A_82 : memref<8000xf32, #tpu.memory_space<hbm>>) dst(%arg9 : memref<8000xf32, #tpu.memory_space<vmem>>)
        tpu.yield
      }) : () -> ()
      "tpu.region"() ({
        %run_scoped3A = tpu.sem_alloc : memref<!tpu.dma_semaphore, #tpu.memory_space<semaphore_mem>>
        %dma_start3A = tpu.memref_slice %arg4[%mul3A_58] : memref<2000000xf32, #tpu.memory_space<hbm>> -> memref<8000xf32, #tpu.memory_space<hbm>>
        %dma_start3A_81 = tpu.memref_slice %arg4[%mul3A_58] : memref<2000000xf32, #tpu.memory_space<hbm>> -> memref<8000xf32, #tpu.memory_space<hbm>>
        tpu.enqueue_dma source(%dma_start3A_81 : memref<8000xf32, #tpu.memory_space<hbm>>) target(%arg10 : memref<8000xf32, #tpu.memory_space<vmem>>) target_semaphore(%run_scoped3A : memref<!tpu.dma_semaphore, #tpu.memory_space<semaphore_mem>>)
        %dma_wait3A = tpu.memref_slice %arg4[%mul3A_58] : memref<2000000xf32, #tpu.memory_space<hbm>> -> memref<8000xf32, #tpu.memory_space<hbm>>
        %dma_wait3A_82 = tpu.memref_slice %arg4[%mul3A_58] : memref<2000000xf32, #tpu.memory_space<hbm>> -> memref<8000xf32, #tpu.memory_space<hbm>>
        tpu.wait_dma2 semaphore(%run_scoped3A : memref<!tpu.dma_semaphore, #tpu.memory_space<semaphore_mem>>) src(%dma_wait3A_82 : memref<8000xf32, #tpu.memory_space<hbm>>) dst(%arg10 : memref<8000xf32, #tpu.memory_space<vmem>>)
        tpu.yield
      }) : () -> ()
      %scan3A_59 = arith.constant 0 : i32
      %scan3A_60 = arith.constant 0 : i32
      %scan3A_61 = arith.constant 500 : i32
      %scan3A_62 = arith.addi %scan3A_60, %scan3A_61 : i32
      %scan3A_63 = arith.constant 1 : i32
      %scan3A_64 = scf.for %scan3A_81 = %scan3A_60 to %scan3A_62 step %scan3A_63 iter_args(%scan3A_82 = %scan3A_59) -> (i32)  : i32 {
        %mul3A_83 = arith.constant 16 : i32
        %mul3A_84 = arith.muli %scan3A_81, %mul3A_83 : i32
        %get3A_85 = arith.index_cast %mul3A_84 : i32 to index
        %get3A_86 = tpu.vector_load %arg8[%get3A_85] {strides = array<i32>} : memref<8000xf32, #tpu.memory_space<vmem>>, vector<16xf32>,
        %get3A_87 = arith.index_cast %mul3A_84 : i32 to index
        %get3A_88 = tpu.vector_load %arg9[%get3A_87] {strides = array<i32>} : memref<8000xf32, #tpu.memory_space<vmem>>, vector<16xf32>,
        %get3A_89 = arith.index_cast %mul3A_84 : i32 to index
        %get3A_90 = tpu.vector_load %arg10[%get3A_89] {strides = array<i32>} : memref<8000xf32, #tpu.memory_space<vmem>>, vector<16xf32>,
        %mul3A_91 = arith.mulf %get3A_86, %get3A_1 : vector<16xf32>
        %add3A_92 = arith.addf %mul3A_91, %get3A_7 : vector<16xf32>
        %mul3A_93 = arith.mulf %get3A_88, %get3A_3 : vector<16xf32>
        %add3A_94 = arith.addf %mul3A_93, %get3A_9 : vector<16xf32>
        %mul3A_95 = arith.mulf %get3A_90, %get3A_5 : vector<16xf32>
        %add3A_96 = arith.addf %mul3A_95, %get3A_11 : vector<16xf32>
        %add3A_97 = arith.constant 0x4B400000 : f32
        %add3A_98 = vector.broadcast %add3A_97 : f32 to vector<16xf32>
        %add3A_99 = arith.addf %add3A_92, %add3A_98 : vector<16xf32>
        %sub3A_100 = arith.constant 0x4B400000 : f32
        %sub3A_101 = vector.broadcast %sub3A_100 : f32 to vector<16xf32>
        %sub3A_102 = arith.subf %add3A_99, %sub3A_101 : vector<16xf32>
        %add3A_103 = arith.constant 0x4B400000 : f32
        %add3A_104 = vector.broadcast %add3A_103 : f32 to vector<16xf32>
        %add3A_105 = arith.addf %add3A_94, %add3A_104 : vector<16xf32>
        %sub3A_106 = arith.constant 0x4B400000 : f32
        %sub3A_107 = vector.broadcast %sub3A_106 : f32 to vector<16xf32>
        %sub3A_108 = arith.subf %add3A_105, %sub3A_107 : vector<16xf32>
        %add3A_109 = arith.constant 0x4B400000 : f32
        %add3A_110 = vector.broadcast %add3A_109 : f32 to vector<16xf32>
        %add3A_111 = arith.addf %add3A_96, %add3A_110 : vector<16xf32>
        %sub3A_112 = arith.constant 0x4B400000 : f32
        %sub3A_113 = vector.broadcast %sub3A_112 : f32 to vector<16xf32>
        %sub3A_114 = arith.subf %add3A_111, %sub3A_113 : vector<16xf32>
        %jit3A_115 = arith.constant 0.000000e+00 : f32
        %jit3A_116 = arith.constant 2.550000e+02 : f32
        %max3A = vector.broadcast %jit3A_115 : f32 to vector<16xf32>
        %max3A_117 = arith.maximumf %max3A, %sub3A_102 : vector<16xf32>
        %min3A = vector.broadcast %jit3A_116 : f32 to vector<16xf32>
        %min3A_118 = arith.minimumf %min3A, %max3A_117 : vector<16xf32>
        %convert_element_type3A_119 = arith.fptosi %min3A_118 : vector<16xf32> to vector<16xi32>
        %jit3A_120 = arith.constant 0.000000e+00 : f32
        %jit3A_121 = arith.constant 2.550000e+02 : f32
        %max3A_122 = vector.broadcast %jit3A_120 : f32 to vector<16xf32>
        %max3A_123 = arith.maximumf %max3A_122, %sub3A_108 : vector<16xf32>
        %min3A_124 = vector.broadcast %jit3A_121 : f32 to vector<16xf32>
        %min3A_125 = arith.minimumf %min3A_124, %max3A_123 : vector<16xf32>
        %convert_element_type3A_126 = arith.fptosi %min3A_125 : vector<16xf32> to vector<16xi32>
        %jit3A_127 = arith.constant 0.000000e+00 : f32
        %jit3A_128 = arith.constant 2.550000e+02 : f32
        %max3A_129 = vector.broadcast %jit3A_127 : f32 to vector<16xf32>
        %max3A_130 = arith.maximumf %max3A_129, %sub3A_114 : vector<16xf32>
        %min3A_131 = vector.broadcast %jit3A_128 : f32 to vector<16xf32>
        %min3A_132 = arith.minimumf %min3A_131, %max3A_130 : vector<16xf32>
        %convert_element_type3A_133 = arith.fptosi %min3A_132 : vector<16xf32> to vector<16xi32>
        %shift_left3A = arith.constant 14 : i32
        %shift_left3A_134 = vector.broadcast %shift_left3A : i32 to vector<16xi32>
        %shift_left3A_135 = arith.shli %convert_element_type3A_119, %shift_left3A_134 : vector<16xi32>
        %shift_right_arithmetic3A = arith.constant 2 : i32
        %shift_right_arithmetic3A_136 = vector.broadcast %shift_right_arithmetic3A : i32 to vector<16xi32>
        %shift_right_arithmetic3A_137 = arith.shrsi %convert_element_type3A_126, %shift_right_arithmetic3A_136 : vector<16xi32>
        %shift_left3A_138 = arith.constant 8 : i32
        %shift_left3A_139 = vector.broadcast %shift_left3A_138 : i32 to vector<16xi32>
        %shift_left3A_140 = arith.shli %shift_right_arithmetic3A_137, %shift_left3A_139 : vector<16xi32>
        %or3A = arith.ori %shift_left3A_135, %shift_left3A_140 : vector<16xi32>
        %or3A_141 = arith.ori %or3A, %convert_element_type3A_133 : vector<16xi32>
        %and3A = arith.constant 3 : i32
        %and3A_142 = vector.broadcast %and3A : i32 to vector<16xi32>
        %and3A_143 = arith.andi %convert_element_type3A_126, %and3A_142 : vector<16xi32>
        %shift_left3A_144 = arith.constant 3 : i32
        %shift_left3A_145 = vector.broadcast %shift_left3A_144 : i32 to vector<16xi32>
        %shift_left3A_146 = arith.shli %and3A_143, %shift_left3A_145 : vector<16xi32>
        %add3A_147 = arith.addi %mul3A_53, %mul3A_84 : i32
        %swap3A = arith.index_cast %add3A_147 : i32 to index
        %swap3A_148 = tpu.vector_load %arg11[%swap3A] {strides = array<i32>} : memref<16000xi32, #tpu.memory_space<vmem>>, vector<16xi32>,
        tpu.vector_store %arg11[%swap3A], %or3A_141 {strides = array<i32>} : memref<16000xi32, #tpu.memory_space<vmem>>, vector<16xi32>,
        %add3A_149 = arith.addi %mul3A_53, %mul3A_84 : i32
        %swap3A_150 = arith.index_cast %add3A_149 : i32 to index
        %swap3A_151 = tpu.vector_load %arg12[%swap3A_150] {strides = array<i32>} : memref<16000xi32, #tpu.memory_space<vmem>>, vector<16xi32>,
        tpu.vector_store %arg12[%swap3A_150], %shift_left3A_146 {strides = array<i32>} : memref<16000xi32, #tpu.memory_space<vmem>>, vector<16xi32>,
        %scan3A_152 = arith.constant 0 : i32
        scf.yield %scan3A_152 : i32
      }
      %scan3A_65 = arith.constant 500 : i32
      %eq3A_66 = arith.constant 0 : i32
      %eq3A_67 = arith.cmpi eq, %mul3A_53, %eq3A_66 : i32
      %convert_element_type3A_68 = arith.extui %eq3A_67 : i1 to i32
      %cond3A_69 = arith.constant 0 : i32
      %cond3A_70 = arith.cmpi ne, %convert_element_type3A_68, %cond3A_69 : i32
      scf.if %cond3A_70 {
        %dma_start3A = arith.constant 0 : i32
        %dma_start3A_81 = tpu.memref_slice %arg13[%dma_start3A] : memref<16000xi32, #tpu.memory_space<vmem>> -> memref<8000xi32, #tpu.memory_space<vmem>>
        %dma_start3A_82 = arith.constant 0 : i32
        %dma_start3A_83 = tpu.memref_slice %arg11[%dma_start3A_82] : memref<16000xi32, #tpu.memory_space<vmem>> -> memref<8000xi32, #tpu.memory_space<vmem>>
        %dma_start3A_84 = arith.constant 0 : i32
        %dma_start3A_85 = tpu.memref_slice %arg5[%dma_start3A_84] : memref<4194304xi32, #tpu.memory_space<hbm>> -> memref<4194304xi32, #tpu.memory_space<hbm>>
        tpu.enqueue_indirect_dma source(%dma_start3A_85 : memref<4194304xi32, #tpu.memory_space<hbm>>) target(%dma_start3A_81 : memref<8000xi32, #tpu.memory_space<vmem>>) offsets(%dma_start3A_83 : memref<8000xi32, #tpu.memory_space<vmem>>) semaphore(%arg16 : memref<!tpu.dma_semaphore, #tpu.memory_space<semaphore_mem>>)
      } else {
      }
      %ne3A_71 = arith.constant 0 : i32
      %ne3A_72 = arith.cmpi ne, %mul3A_53, %ne3A_71 : i32
      %convert_element_type3A_73 = arith.extui %ne3A_72 : i1 to i32
      %cond3A_74 = arith.constant 0 : i32
      %cond3A_75 = arith.cmpi ne, %convert_element_type3A_73, %cond3A_74 : i32
      scf.if %cond3A_75 {
        %dma_start3A = arith.constant 8000 : i32
        %dma_start3A_81 = tpu.memref_slice %arg13[%dma_start3A] : memref<16000xi32, #tpu.memory_space<vmem>> -> memref<8000xi32, #tpu.memory_space<vmem>>
        %dma_start3A_82 = arith.constant 8000 : i32
        %dma_start3A_83 = tpu.memref_slice %arg11[%dma_start3A_82] : memref<16000xi32, #tpu.memory_space<vmem>> -> memref<8000xi32, #tpu.memory_space<vmem>>
        %dma_start3A_84 = arith.constant 0 : i32
        %dma_start3A_85 = tpu.memref_slice %arg5[%dma_start3A_84] : memref<4194304xi32, #tpu.memory_space<hbm>> -> memref<4194304xi32, #tpu.memory_space<hbm>>
        tpu.enqueue_indirect_dma source(%dma_start3A_85 : memref<4194304xi32, #tpu.memory_space<hbm>>) target(%dma_start3A_81 : memref<8000xi32, #tpu.memory_space<vmem>>) offsets(%dma_start3A_83 : memref<8000xi32, #tpu.memory_space<vmem>>) semaphore(%arg17 : memref<!tpu.dma_semaphore, #tpu.memory_space<semaphore_mem>>)
      } else {
      }
      %gt3A = arith.constant 0 : i32
      %gt3A_76 = arith.cmpi sgt, %while3A_48, %gt3A : i32
      %convert_element_type3A_77 = arith.extui %gt3A_76 : i1 to i32
      %cond3A_78 = arith.constant 0 : i32
      %cond3A_79 = arith.cmpi ne, %convert_element_type3A_77, %cond3A_78 : i32
      scf.if %cond3A_79 {
        %sub3A_81 = arith.constant 1 : i32
        %sub3A_82 = arith.subi %while3A_48, %sub3A_81 : i32
        %mul3A_83 = arith.constant 32 : i32
        %mul3A_84 = arith.muli %mul3A_83, %sub3A_82 : i32
        %add3A_85 = arith.addi %add3A, %mul3A_84 : i32
        %mul3A_86 = arith.constant 8000 : i32
        %mul3A_87 = arith.muli %add3A_85, %mul3A_86 : i32
        %sub3A_88 = arith.constant 8000 : i32
        %sub3A_89 = arith.subi %sub3A_88, %mul3A_53 : i32
        %eq3A_90 = arith.constant 0 : i32
        %eq3A_91 = arith.cmpi eq, %sub3A_89, %eq3A_90 : i32
        %convert_element_type3A_92 = arith.extui %eq3A_91 : i1 to i32
        %cond3A_93 = arith.constant 0 : i32
        %cond3A_94 = arith.cmpi ne, %convert_element_type3A_92, %cond3A_93 : i32
        scf.if %cond3A_94 {
          %dma_wait3A = arith.constant 0 : i32
          %dma_wait3A_107 = tpu.memref_slice %arg13[%dma_wait3A] : memref<16000xi32, #tpu.memory_space<vmem>> -> memref<8000xi32, #tpu.memory_space<vmem>>
          %dma_wait3A_108 = arith.constant 0 : i32
          %dma_wait3A_109 = tpu.memref_slice %arg11[%dma_wait3A_108] : memref<16000xi32, #tpu.memory_space<vmem>> -> memref<8000xi32, #tpu.memory_space<vmem>>
          %dma_wait3A_110 = arith.constant 0 : i32
          %dma_wait3A_111 = tpu.memref_slice %arg5[%dma_wait3A_110] : memref<4194304xi32, #tpu.memory_space<hbm>> -> memref<4194304xi32, #tpu.memory_space<hbm>>
          tpu.wait_indirect_dma semaphore(%arg16 : memref<!tpu.dma_semaphore, #tpu.memory_space<semaphore_mem>>) src(%dma_wait3A_111 : memref<4194304xi32, #tpu.memory_space<hbm>>) dst(%dma_wait3A_107 : memref<8000xi32, #tpu.memory_space<vmem>>)
        } else {
        }
        %ne3A_95 = arith.constant 0 : i32
        %ne3A_96 = arith.cmpi ne, %sub3A_89, %ne3A_95 : i32
        %convert_element_type3A_97 = arith.extui %ne3A_96 : i1 to i32
        %cond3A_98 = arith.constant 0 : i32
        %cond3A_99 = arith.cmpi ne, %convert_element_type3A_97, %cond3A_98 : i32
        scf.if %cond3A_99 {
          %dma_wait3A = arith.constant 8000 : i32
          %dma_wait3A_107 = tpu.memref_slice %arg13[%dma_wait3A] : memref<16000xi32, #tpu.memory_space<vmem>> -> memref<8000xi32, #tpu.memory_space<vmem>>
          %dma_wait3A_108 = arith.constant 8000 : i32
          %dma_wait3A_109 = tpu.memref_slice %arg11[%dma_wait3A_108] : memref<16000xi32, #tpu.memory_space<vmem>> -> memref<8000xi32, #tpu.memory_space<vmem>>
          %dma_wait3A_110 = arith.constant 0 : i32
          %dma_wait3A_111 = tpu.memref_slice %arg5[%dma_wait3A_110] : memref<4194304xi32, #tpu.memory_space<hbm>> -> memref<4194304xi32, #tpu.memory_space<hbm>>
          tpu.wait_indirect_dma semaphore(%arg17 : memref<!tpu.dma_semaphore, #tpu.memory_space<semaphore_mem>>) src(%dma_wait3A_111 : memref<4194304xi32, #tpu.memory_space<hbm>>) dst(%dma_wait3A_107 : memref<8000xi32, #tpu.memory_space<vmem>>)
        } else {
        }
        %scan3A_100 = arith.constant 0 : i32
        %scan3A_101 = arith.constant 0 : i32
        %scan3A_102 = arith.constant 500 : i32
        %scan3A_103 = arith.addi %scan3A_101, %scan3A_102 : i32
        %scan3A_104 = arith.constant 1 : i32
        %scan3A_105 = scf.for %scan3A_107 = %scan3A_101 to %scan3A_103 step %scan3A_104 iter_args(%scan3A_108 = %scan3A_100) -> (i32)  : i32 {
          %mul3A_109 = arith.constant 16 : i32
          %mul3A_110 = arith.muli %scan3A_107, %mul3A_109 : i32
          %add3A_111 = arith.addi %sub3A_89, %mul3A_110 : i32
          %get3A_112 = arith.index_cast %add3A_111 : i32 to index
          %get3A_113 = tpu.vector_load %arg13[%get3A_112] {strides = array<i32>} : memref<16000xi32, #tpu.memory_space<vmem>>, vector<16xi32>,
          %add3A_114 = arith.addi %sub3A_89, %mul3A_110 : i32
          %get3A_115 = arith.index_cast %add3A_114 : i32 to index
          %get3A_116 = tpu.vector_load %arg12[%get3A_115] {strides = array<i32>} : memref<16000xi32, #tpu.memory_space<vmem>>, vector<16xi32>,
          %shift_right_logical3A = arith.shrui %get3A_113, %get3A_116 : vector<16xi32>
          %and3A = arith.constant 1 : i32
          %and3A_117 = vector.broadcast %and3A : i32 to vector<16xi32>
          %and3A_118 = arith.andi %shift_right_logical3A, %and3A_117 : vector<16xi32>
          %swap3A = arith.index_cast %mul3A_110 : i32 to index
          %swap3A_119 = tpu.vector_load %arg14[%swap3A] {strides = array<i32>} : memref<8000xi32, #tpu.memory_space<vmem>>, vector<16xi32>,
          tpu.vector_store %arg14[%swap3A], %and3A_118 {strides = array<i32>} : memref<8000xi32, #tpu.memory_space<vmem>>, vector<16xi32>,
          %scan3A_120 = arith.constant 0 : i32
          scf.yield %scan3A_120 : i32
        }
        %scan3A_106 = arith.constant 500 : i32
        "tpu.region"() ({
          %run_scoped3A = tpu.sem_alloc : memref<!tpu.dma_semaphore, #tpu.memory_space<semaphore_mem>>
          %dma_start3A = tpu.memref_slice %arg7[%mul3A_87] : memref<2000000xi32, #tpu.memory_space<hbm>> -> memref<8000xi32, #tpu.memory_space<hbm>>
          %dma_start3A_107 = tpu.memref_slice %arg7[%mul3A_87] : memref<2000000xi32, #tpu.memory_space<hbm>> -> memref<8000xi32, #tpu.memory_space<hbm>>
          tpu.enqueue_dma source(%arg14 : memref<8000xi32, #tpu.memory_space<vmem>>) target(%dma_start3A_107 : memref<8000xi32, #tpu.memory_space<hbm>>) target_semaphore(%run_scoped3A : memref<!tpu.dma_semaphore, #tpu.memory_space<semaphore_mem>>)
          %dma_wait3A = tpu.memref_slice %arg7[%mul3A_87] : memref<2000000xi32, #tpu.memory_space<hbm>> -> memref<8000xi32, #tpu.memory_space<hbm>>
          %dma_wait3A_108 = tpu.memref_slice %arg7[%mul3A_87] : memref<2000000xi32, #tpu.memory_space<hbm>> -> memref<8000xi32, #tpu.memory_space<hbm>>
          tpu.wait_dma2 semaphore(%run_scoped3A : memref<!tpu.dma_semaphore, #tpu.memory_space<semaphore_mem>>) src(%arg14 : memref<8000xi32, #tpu.memory_space<vmem>>) dst(%dma_wait3A_108 : memref<8000xi32, #tpu.memory_space<hbm>>)
          tpu.yield
        }) : () -> ()
      } else {
      }
      %while3A_80 = arith.constant 0 : i32
      scf.yield %while3A_80 : i32
    }
    %sub3A = arith.constant 1 : i32
    %sub3A_27 = arith.subi %add3A_15, %sub3A : i32
    %mul3A_28 = arith.constant 32 : i32
    %mul3A_29 = arith.muli %mul3A_28, %sub3A_27 : i32
    %add3A_30 = arith.addi %add3A, %mul3A_29 : i32
    %mul3A_31 = arith.constant 8000 : i32
    %mul3A_32 = arith.muli %add3A_30, %mul3A_31 : i32
    %rem3A = arith.constant 2 : i32
    %rem3A_33 = arith.remsi %sub3A_27, %rem3A : i32
    %mul3A_34 = arith.constant 8000 : i32
    %mul3A_35 = arith.muli %rem3A_33, %mul3A_34 : i32
    %eq3A = arith.constant 0 : i32
    %eq3A_36 = arith.cmpi eq, %mul3A_35, %eq3A : i32
    %convert_element_type3A = arith.extui %eq3A_36 : i1 to i32
    %cond3A = arith.constant 0 : i32
    %cond3A_37 = arith.cmpi ne, %convert_element_type3A, %cond3A : i32
    scf.if %cond3A_37 {
      %dma_wait3A = arith.constant 0 : i32
      %dma_wait3A_48 = tpu.memref_slice %arg13[%dma_wait3A] : memref<16000xi32, #tpu.memory_space<vmem>> -> memref<8000xi32, #tpu.memory_space<vmem>>
      %dma_wait3A_49 = arith.constant 0 : i32
      %dma_wait3A_50 = tpu.memref_slice %arg11[%dma_wait3A_49] : memref<16000xi32, #tpu.memory_space<vmem>> -> memref<8000xi32, #tpu.memory_space<vmem>>
      %dma_wait3A_51 = arith.constant 0 : i32
      %dma_wait3A_52 = tpu.memref_slice %arg5[%dma_wait3A_51] : memref<4194304xi32, #tpu.memory_space<hbm>> -> memref<4194304xi32, #tpu.memory_space<hbm>>
      tpu.wait_indirect_dma semaphore(%arg16 : memref<!tpu.dma_semaphore, #tpu.memory_space<semaphore_mem>>) src(%dma_wait3A_52 : memref<4194304xi32, #tpu.memory_space<hbm>>) dst(%dma_wait3A_48 : memref<8000xi32, #tpu.memory_space<vmem>>)
    } else {
    }
    %ne3A = arith.constant 0 : i32
    %ne3A_38 = arith.cmpi ne, %mul3A_35, %ne3A : i32
    %convert_element_type3A_39 = arith.extui %ne3A_38 : i1 to i32
    %cond3A_40 = arith.constant 0 : i32
    %cond3A_41 = arith.cmpi ne, %convert_element_type3A_39, %cond3A_40 : i32
    scf.if %cond3A_41 {
      %dma_wait3A = arith.constant 8000 : i32
      %dma_wait3A_48 = tpu.memref_slice %arg13[%dma_wait3A] : memref<16000xi32, #tpu.memory_space<vmem>> -> memref<8000xi32, #tpu.memory_space<vmem>>
      %dma_wait3A_49 = arith.constant 8000 : i32
      %dma_wait3A_50 = tpu.memref_slice %arg11[%dma_wait3A_49] : memref<16000xi32, #tpu.memory_space<vmem>> -> memref<8000xi32, #tpu.memory_space<vmem>>
      %dma_wait3A_51 = arith.constant 0 : i32
      %dma_wait3A_52 = tpu.memref_slice %arg5[%dma_wait3A_51] : memref<4194304xi32, #tpu.memory_space<hbm>> -> memref<4194304xi32, #tpu.memory_space<hbm>>
      tpu.wait_indirect_dma semaphore(%arg17 : memref<!tpu.dma_semaphore, #tpu.memory_space<semaphore_mem>>) src(%dma_wait3A_52 : memref<4194304xi32, #tpu.memory_space<hbm>>) dst(%dma_wait3A_48 : memref<8000xi32, #tpu.memory_space<vmem>>)
    } else {
    }
    %scan3A = arith.constant 0 : i32
    %scan3A_42 = arith.constant 0 : i32
    %scan3A_43 = arith.constant 500 : i32
    %scan3A_44 = arith.addi %scan3A_42, %scan3A_43 : i32
    %scan3A_45 = arith.constant 1 : i32
    %scan3A_46 = scf.for %scan3A_48 = %scan3A_42 to %scan3A_44 step %scan3A_45 iter_args(%scan3A_49 = %scan3A) -> (i32)  : i32 {
      %mul3A_50 = arith.constant 16 : i32
      %mul3A_51 = arith.muli %scan3A_48, %mul3A_50 : i32
      %add3A_52 = arith.addi %mul3A_35, %mul3A_51 : i32
      %get3A_53 = arith.index_cast %add3A_52 : i32 to index
      %get3A_54 = tpu.vector_load %arg13[%get3A_53] {strides = array<i32>} : memref<16000xi32, #tpu.memory_space<vmem>>, vector<16xi32>,
      %add3A_55 = arith.addi %mul3A_35, %mul3A_51 : i32
      %get3A_56 = arith.index_cast %add3A_55 : i32 to index
      %get3A_57 = tpu.vector_load %arg12[%get3A_56] {strides = array<i32>} : memref<16000xi32, #tpu.memory_space<vmem>>, vector<16xi32>,
      %shift_right_logical3A = arith.shrui %get3A_54, %get3A_57 : vector<16xi32>
      %and3A = arith.constant 1 : i32
      %and3A_58 = vector.broadcast %and3A : i32 to vector<16xi32>
      %and3A_59 = arith.andi %shift_right_logical3A, %and3A_58 : vector<16xi32>
      %swap3A = arith.index_cast %mul3A_51 : i32 to index
      %swap3A_60 = tpu.vector_load %arg14[%swap3A] {strides = array<i32>} : memref<8000xi32, #tpu.memory_space<vmem>>, vector<16xi32>,
      tpu.vector_store %arg14[%swap3A], %and3A_59 {strides = array<i32>} : memref<8000xi32, #tpu.memory_space<vmem>>, vector<16xi32>,
      %scan3A_61 = arith.constant 0 : i32
      scf.yield %scan3A_61 : i32
    }
    %scan3A_47 = arith.constant 500 : i32
    "tpu.region"() ({
      %run_scoped3A = tpu.sem_alloc : memref<!tpu.dma_semaphore, #tpu.memory_space<semaphore_mem>>
      %dma_start3A = tpu.memref_slice %arg7[%mul3A_32] : memref<2000000xi32, #tpu.memory_space<hbm>> -> memref<8000xi32, #tpu.memory_space<hbm>>
      %dma_start3A_48 = tpu.memref_slice %arg7[%mul3A_32] : memref<2000000xi32, #tpu.memory_space<hbm>> -> memref<8000xi32, #tpu.memory_space<hbm>>
      tpu.enqueue_dma source(%arg14 : memref<8000xi32, #tpu.memory_space<vmem>>) target(%dma_start3A_48 : memref<8000xi32, #tpu.memory_space<hbm>>) target_semaphore(%run_scoped3A : memref<!tpu.dma_semaphore, #tpu.memory_space<semaphore_mem>>)
      %dma_wait3A = tpu.memref_slice %arg7[%mul3A_32] : memref<2000000xi32, #tpu.memory_space<hbm>> -> memref<8000xi32, #tpu.memory_space<hbm>>
      %dma_wait3A_49 = tpu.memref_slice %arg7[%mul3A_32] : memref<2000000xi32, #tpu.memory_space<hbm>> -> memref<8000xi32, #tpu.memory_space<hbm>>
      tpu.wait_dma2 semaphore(%run_scoped3A : memref<!tpu.dma_semaphore, #tpu.memory_space<semaphore_mem>>) src(%arg14 : memref<8000xi32, #tpu.memory_space<vmem>>) dst(%dma_wait3A_49 : memref<8000xi32, #tpu.memory_space<hbm>>)
      tpu.yield
    }) : () -> ()
    return
  }
}

</mosaic_0001>

<sc_bundles>
// kernel: _sc_call.3.cloned.1.call-start
scs
__scs_entry_jumppad:
0x0: {  	(pc) =	sbr.rel $0x88, $3  }
0x1: {  	(tag) =	ssettag $0x0;
	lr =	simm.s32 $0x1  }
0x2: {  	[smem:$0x3F9C] =	sst lr;
	_ =	strace $0xD0000000  }
0x3: {  	_ = 	snop  }
0x4: {  	_ = 	snop  }
0x5: {  	_ = 	snop  }
0x6: {  	_ = 	snop  }
0x7: {  	_ = 	snop  }
__scs_overlays_trampoline_lowered:
0x8: {  	[smem:$0x3FAB] =	sst s0  }
0x9: {  	[smem:$0x3FAC] =	sst s1  }
0xa: {  	[smem:$0x3FAD] =	sst s2  }
0xb: {  	[smem:$0x3FAE] =	sst s3  }
0xc: {  	[smem:$0x3FAF] =	sst s4  }
0xd: {  	[smem:$0x3FB0] =	sst s5  }
0xe: {  	[smem:$0x3FB1] =	sst s6  }
0xf: {  	[smem:$0x3FB2] =	sst s7  }
0x10: {  	[smem:$0x3FB3] =	sst s8  }
0x11: {  	[smem:$0x3FB4] =	sst s9;
	s0 =	simm.s32 @!p0 $0x0  }
0x12: {  	s1 =	sld [smem:$0x3F9A];
	s0 =	simm.s32 @p0 $0x1  }
0x13: {  	[smem:$0x3FB5] =	sst s0;
	s0 =	simm.s32 @!p1 $0x0  }
0x14: {  	s2 =	sld [smem:$0x3F99];
	s0 =	simm.s32 @p1 $0x1  }
0x15: {  	[smem:$0x3FB6] =	sst s0;
	s0 =	simm.s32 @!p2 $0x0  }
0x16: {  	s3 =	sld [smem:$0x3FDB];
	s0 =	simm.s32 @p2 $0x1  }
0x17: {  	s4 =	simm.s32 $0x1BF5;
	[smem:$0x3FB8] =	sst s0  }
0x18: {  	s0 =	sld [smem:$0x3F9B];
	_ =	swait.ge [sflag:s4], $0x0  }
0x19: {  	s7 =	sld [smem:$0x3F9C]  }
0x1a: {  	s8 =	sadd.s32 $0xFFFFE003, lr  }
0x1b: {  	s9 =	sadd.s32 $0xFFFFFEF7, lr;
	s5 =	simm.s32 $0xFFFFFFFF;
	p2 =	slt.u32 s8, $0xFFFFF086  }
0x1c: {  	p1 =	slt.u32 s9, $0xF7A;
	s5 =	simm.s32 @!p2 $0x0  }
0x1d: {  	s5 =	simm.s32 @p1 $0x1;
	p0 =	seq.s32 s7, s2  }
0x1e: {  	s7 =	smul.u32 @!p0 $0xF7A, s2;
	p2 =	seq.s32 @!p0 s5, $0x0  }
0x1f: {  	s9 =	smul.u32 $0xF7A, s1;
	s8 =	simm.s32 @!p0 $0x1BF5;
	p2 =	por !p2, p0  }
0x20: {  	[sflag:s8] =	ssyncset.s32 @!p0 $0xFFFFF086;
	s6 =	sadd.s32 @!p0 s3, s7;
	s7 =	simm.s32 @!p0 $0x108  }
0x21: {  	s3 =	sadd.s32 s3, s9;
	s6 =	sadd.s32 @!p0 $0x88, s6;
	s7 =	simm.s32 @p2 $0x1082  }
0x22: {  	[simem:s7], [sflag:s8] =	dma.local @!p0 [hbm:s6], $0xF7A  }
0x23: {  	s9 =	sor.u32 $0xD0000000, s2;
	s6 =	simm.s32 $0x108;
	_ =	swait.ge @!p0 [sflag:s8], $0x0  }
0x24: {  	s3 =	sadd.s32 $0x88, s3;
	s6 =	simm.s32 @!p1 $0x1082;
	[sflag:s4] =	ssyncset.s32 $0xFFFFF086  }
0x25: {  	[simem:s6], [sflag:s4] =	dma.local [hbm:s3], $0xF7A  }
0x26: {  	[smem:$0x3F9C] =	sst s1;
	(tag) =	ssettag s2;
	_ =	strace s9  }
0x27: {  	s1 =	sld [smem:$0x3FAC]  }
0x28: {  	s2 =	sld [smem:$0x3FAD]  }
0x29: {  	s4 =	sld [smem:$0x3FAF]  }
0x2a: {  	p0 =	seq.s32 s5, $0x0;
	s5 =	sld [smem:$0x3FB0]  }
0x2b: {  	s6 =	sld [smem:$0x3FB1]  }
0x2c: {  	s7 =	sld [smem:$0x3FB2]  }
0x2d: {  	s3 =	simm.s32 $0x108;
	s8 =	sld [smem:$0x3FB3]  }
0x2e: {  	s3 =	simm.s32 @!p0 $0x1082;
	s9 =	sld [smem:$0x3FB4]  }
0x2f: {  	lr =	sadd.s32 s0, s3;
	s0 =	sld [smem:$0x3FAB]  }
0x30: {  	s3 =	sld [smem:$0x3FAE]  }
0x31: {  	[smem:$0x3FB7] =	sst s10  }
0x32: {  	s10 =	sld [smem:$0x3FB5];
	_ =	sdelay $0x3  }
0x33: {  	p0 =	seq.s32 s10, $0x1;
	s10 =	sld [smem:$0x3FB7];
	_ =	sdelay $0x3  }
0x34: {  	[smem:$0x3FB7] =	sst s10  }
0x35: {  	s10 =	sld [smem:$0x3FB6];
	_ =	sdelay $0x3  }
0x36: {  	p1 =	seq.s32 s10, $0x1;
	s10 =	sld [smem:$0x3FB7];
	_ =	sdelay $0x3  }
0x37: {  	[smem:$0x3FB7] =	sst s10  }
0x38: {  	s10 =	sld [smem:$0x3FB8]  }
0x39: {  	_ = 	snop;
	(pc) =	sbr.ind lr, $3  }
0x3a: {  	_ = 	snop  }
0x3b: {  	_ = 	snop  }
0x3c: {  	p2 =	seq.s32 s10, $0x1;
	s10 =	sld [smem:$0x3FB7]  }
0x3d: {  	_ =	shalt  }
0x3e: {  	_ =	shalt  }
0x3f: {  	_ =	shalt  }
0x40: {  	_ =	shalt  }
0x41: {  	_ =	shalt  }
0x42: {  	_ =	shalt  }
0x43: {  	_ =	shalt  }
0x44: {  	_ =	shalt  }
0x45: {  	_ =	shalt  }
0x46: {  	_ =	shalt  }
0x47: {  	_ =	shalt  }
0x48: {  	_ =	shalt  }
0x49: {  	_ =	shalt  }
0x4a: {  	_ =	shalt  }
0x4b: {  	_ =	shalt  }
0x4c: {  	_ =	shalt  }
0x4d: {  	_ =	shalt  }
0x4e: {  	_ =	shalt  }
0x4f: {  	_ =	shalt  }
0x50: {  	_ =	shalt  }
0x51: {  	_ =	shalt  }
0x52: {  	_ =	shalt  }
0x53: {  	_ =	shalt  }
0x54: {  	_ =	shalt  }
0x55: {  	_ =	shalt  }
0x56: {  	_ =	shalt  }
0x57: {  	_ =	shalt  }
0x58: {  	_ =	shalt  }
0x59: {  	_ =	shalt  }
0x5a: {  	_ =	shalt  }
0x5b: {  	_ =	shalt  }
0x5c: {  	_ =	shalt  }
0x5d: {  	_ =	shalt  }
0x5e: {  	_ =	shalt  }
0x5f: {  	_ =	shalt  }
0x60: {  	_ =	shalt  }
0x61: {  	_ =	shalt  }
0x62: {  	_ =	shalt  }
0x63: {  	_ =	shalt  }
0x64: {  	_ =	shalt  }
0x65: {  	_ =	shalt  }
0x66: {  	_ =	shalt  }
0x67: {  	_ =	shalt  }
0x68: {  	_ =	shalt  }
0x69: {  	_ =	shalt  }
0x6a: {  	_ =	shalt  }
0x6b: {  	_ =	shalt  }
0x6c: {  	_ =	shalt  }
0x6d: {  	_ =	shalt  }
0x6e: {  	_ =	shalt  }
0x6f: {  	_ =	shalt  }
0x70: {  	_ =	shalt  }
0x71: {  	_ =	shalt  }
0x72: {  	_ =	shalt  }
0x73: {  	_ =	shalt  }
0x74: {  	_ =	shalt  }
0x75: {  	_ =	shalt  }
0x76: {  	_ =	shalt  }
0x77: {  	_ =	shalt  }
0x78: {  	_ =	shalt  }
0x79: {  	_ =	shalt  }
0x7a: {  	_ =	shalt  }
0x7b: {  	_ =	shalt  }
0x7c: {  	_ =	shalt  }
0x7d: {  	_ =	shalt  }
0x7e: {  	_ =	shalt  }
0x7f: {  	_ =	shalt  }
0x80: {  	_ =	shalt  }
0x81: {  	_ =	shalt  }
0x82: {  	_ =	shalt  }
0x83: {  	_ =	shalt  }
0x84: {  	_ =	shalt  }
0x85: {  	_ =	shalt  }
0x86: {  	_ =	shalt  }
0x87: {  	_ =	shalt  }
.Lfunc_end0:
.L_simem_size_0:
called_computation_lowered:
.L_overlay_start_0:
0x88: {  	s2 =	sld [smem:$0x3FD9]  }
0x89: {  	s3 =	sld [smem:$0x3FFE];
	_ =	sdelay $0x1  }
0x8a: {  	s1 =	srdreg.scid  }
0x8b: {  	s0 =	sand.u32 $0x1, s1  }
0x8c: {  	s18 =	sshll.u32 s0, $0xA;
	s2 =	sadd.s32 s3, s2  }
0x8d: {  	s2 =	sadd.s32 s2, s18  }
0x8e: {  	[smem:$0x3FC3] =	sst s2  }
0x8f: {  	_ = 	snop  }
0x90: {  	s2 =	sld [smem:$0x3FC9]  }
0x91: {  	s19 =	sld [smem:$0x3FC8]  }
0x92: {  	s4 =	sld [smem:$0x3FC7]  }
0x93: {  	s5 =	sld [smem:$0x3FC6]  }
0x94: {  	s6 =	sld [smem:$0x3FC5]  }
0x95: {  	s7 =	sld [smem:$0x3FD0];
	(tm) =	ssettm $0x1  }
0x96: {  	s8 =	sld [smem:$0x3FFB];
	_ =	sdelay $0x3  }
0x97: {  	_ =	strace s8  }
0x98: {  	s8 =	sld [smem:$0x3FFC];
	_ =	sdelay $0x3  }
0x99: {  	_ =	strace s8  }
0x9a: {  	s8 =	sld [smem:$0x3FFD];
	_ =	sdelay $0x3  }
0x9b: {  	_ =	strace s8  }
0x9c: {  	_ =	strace $0x8FFFFFFF  }
0x9d: {  	s20 =	sld [smem:$0x3FDB];
	_ =	sdelay $0x1  }
0x9e: {  	s9 =	simm.s32 $_scs_section_size  }
0x9f: {  	s10 =	simm.s32 $_size__tile_overlayer_lowered;
	s11 =	simm.s32 $_tile_overlayer_lowered  }
0xa0: {  	s23 =	simm.s32 $0x1BFF;
	s22 =	sshll.u32 s11, $0x1;
	s8 =	sadd.s32 s9, s20  }
0xa1: {  	s12 =	simm.s32 $0x0;
	s21 =	sshll.u32 s10, $0x1;
	s10 =	sadd.s32 s22, s8  }
0xa2: {  	[timem:s12], [sflag:s23] =	dma.local [hbm:s10], s21  }
0xa3: {  	_ =	swait.ge [sflag:s23], s21  }
0xa4: {  	s9 =	ssub.s32 $0x0, s21;
	[sflag:s23] =	ssyncset.done $0x0  }
0xa5: {  	[sflag:s23] =	ssyncadd.s32 s9;
	_ =	sdelay $0x1  }
0xa6: {  	s24 =	simm.s32 $0x1B8B  }
0xa7: {  	_ =	swait.ge [sflag:s24], $0x1  }
0xa8: {  	[sflag:s24] =	ssyncset.done $0x0  }
0xa9: {  	s25 =	simm.s32 $0x1B8E;
	[sflag:s24] =	ssyncadd.s32 $0xFFFFFFFF  }
0xaa: {  	s26 =	simm.s32 $execute0_lowered;
	[smem:$0x3FD2] =	sst s25  }
0xab: {  	s9 =	sshll.u32 s26, $0x1;
	_ =	strace $0x80000046;
	[dreg:$0x1] =	wrdreg $0xFFFFFFFF  }
0xac: {  	s28 =	simm.s32 $_size_execute0_lowered;
	s8 =	sadd.s32 s8, s9;
	[dreg:$0x0] =	wrdreg $0x0  }
0xad: {  	s9 =	sshll.u32 s28, $0x1;
	[dreg:$0x2] =	wrdreg s8  }
0xae: {  	[dreg:$0x3] =	wrdreg s9  }
0xaf: {  	[dreg:$0x4] =	wrdreg $0xC0  }
0xb0: {  	_ =	task [dreg:s12], $0x5FFFF  }
0xb1: {  	[dreg:$0x1] =	wrdreg $0xFFFFFFFF  }
0xb2: {  	[dreg:$0x0] =	wrdreg $0x60  }
0xb3: {  	[dreg:$0x2] =	wrdreg s2  }
0xb4: {  	[dreg:$0x3] =	wrdreg s19  }
0xb5: {  	[dreg:$0x4] =	wrdreg s4  }
0xb6: {  	[dreg:$0x5] =	wrdreg s5  }
0xb7: {  	[dreg:$0x6] =	wrdreg s6  }
0xb8: {  	[dreg:$0x7] =	wrdreg s7  }
0xb9: {  	[dreg:$0x8] =	wrdreg $0x9  }
0xba: {  	_ =	task.clear_ibuf [dreg:s12], $0x9FFFF;
	_ =	strace $0x90000046  }
0xbb: {  	s29 =	simm.s32 $0x9;
	_ =	strace $0x80000048  }
0xbc: {  	_ =	swait.ge [sflag:s29], $0x1  }
0xbd: {  	[sflag:s29] =	ssyncadd.s32 $0xFFFFFFFF  }
0xbe: {  	_ =	strace $0x90000048  }
0xbf: {  	_ =	sfence  }
0xc0: {  	s30 =	sld [smem:$0x0];
	_ =	sdelay $0x2  }
0xc1: {  	s31 =	sshll.u32 s1, $0xD;
	s1 =	sshrl.u32 s1, $0x2  }
0xc2: {  	s3 =	sand.u32 $0x4000, s31;
	s1 =	sadd.s32 s1, s30  }
0xc3: {  	s0 =	sor.u32 s3, s0;
	s1 =	sshll.u32 s1, $0x11  }
0xc4: {  	s0 =	sor.u32 s1, s0  }
0xc5: {  	s0 =	sadd.s32 $0x8F2B, s0  }
0xc6: {  	[sflag:s0] =	ssyncadd.remote.s32 $0x1  }
0xc7: {  	_ =	sfence.sel $0xFFFF  }
0xc8: {  	[dreg:$0x0] =	wrdreg $0xFFFFFFFF;
	(pc) =	sbr.abs _section_cstart, $3  }
0xc9: {  	[dreg:$0x1] =	wrdreg $0xFFFFFFFF  }
0xca: {  	_ =	task.clear_ibuf [dreg:s12], $0x2FFFF;
	_ =	strace $0x9FFFFFFF  }
0xcb: {  	(tm) =	ssettm $0x7FFFFFFF  }
tec
execute0_lowered:
.L_overlay_start_1:
0x0: {  	(tag) =	ssettag $0x1  }
0x1: {  	s1 =	rddreg [dreg:$0x0]  }
0x2: {  	s2 =	rddreg [dreg:$0x1]  }
0x3: {  	s3 =	rddreg [dreg:$0x2]  }
0x4: {  	s4 =	rddreg [dreg:$0x3]  }
0x5: {  	s6 =	rddreg [dreg:$0x5];
	s8 =	simm.s32 $0x0;
	s0 =	srdreg.scid  }
0x6: {  	s9 =	stileid.u32;
	s7 =	simm.s32 $0x7;
	s10 =	simm.s32 $0x8  }
0x7: {  	s12 =	simm.s32 $0x1F40;
	s14 =	simm.s32 $0x2;
	s17 =	simm.s32 $0x3  }
0x8: {  	s18 =	simm.s32 $0x4;
	s19 =	simm.s32 $0x1F80;
	p0 =	slt.u32 s9, $0xD  }
0x9: {  	s20 =	simm.s32 $0x3F00;
	s21 =	simm.s32 $0x5E80;
	s7 =	simm.s32 @!p0 $0x6  }
0xa: {  	s22 =	simm.s32 $0xDB80;
	s29 =	sshll.u32 s7, $0x5;
	s7 =	sand.u32 $0x1, s7  }
0xb: {  	s10 =	simm.s32 @!p0 $0x7;
	p0 =	seq.s32 s7, $0x1;
	s7 =	simm.s32 $0x1F40  }
0xc: {  	s23 =	simm.s32 $0x11A00;
	s24 =	simm.s32 $0x7DC0;
	s7 =	simm.s32 @!p0 $0x0  }
0xd: {  	s0 =	sand.u32 $0x1, s0;
	s9 =	sshll.u32 s9, $0x1;
	s30 =	sadd.s32 $0xDB80, s7  }
0xe: {  	s25 =	simm.s32 $0xFAC0;
	s26 =	simm.s32 $0x0;
	s9 =	sor.u32 s0, s9;
	v0 =	vmov s30  }
0xf: {  	[smem:$0x7FF] =	sst s8;
	s5 =	ssub.s32 $0x2, s0;
	s0 =	sor.u32 s9, s29  }
0x10: {  	_ =	strace $0x80000047;
	s11 =	sshrl.u32 s5, $0x1;
	s0 =	smul.u32 $0x3E8, s0  }
0x11: {  	s5 =	ssub.s32 s5, s11;
	s11 =	sor.u32 $0xFFFFFFE0, s9;
	s31 =	sadd.s32 $0x9D00, s7  }
0x12: {  	s15 =	smax.u32 s5, $0x1;
	s14 =	simm.s32 @!p0 $0x1;
	s13 =	sadd.s32 s6, s0;
	v1 =	vmov s31  }
.LBB2_1:
0x13: {  	s0 =	rddreg [dreg:$0x4];
	s5 =	simm.s32 $0x13980  }
0x14: {  	[tilespmem:s5], [sflag:$0x3] =	stream.linear.gather [hbm4b:s0+s8], $0x80, $0x38;
	[tilespmem:$0x13A00] =	vst v63  }
0x15: {  	_ =	swait.ge [sflag:s17], $0x80  }
0x16: {  	[sflag:s17] =	ssyncset.done $0x0  }
0x17: {  	[sflag:s17] =	ssyncadd.s32 $0xFFFFFF80  }
0x18: {  	v2 =	vld [tilespmem:$0x13980]  }
.Ltmp0:
0x19: {  	v3 =	vld [tilespmem:$0x13990];
	(pc) =	sbr.rel .LBB2_2-.Ltmp0, $4  }
0x1a: {  	v4 =	vld [tilespmem:$0x139A0]  }
0x1b: {  	v5 =	vld [tilespmem:$0x139B0]  }
0x1c: {  	v6 =	vld [tilespmem:$0x139C0]  }
0x1d: {  	p0 =	por $0x0, $0x0;
	s28 =	simm.s32 $0x0;
	v7 =	vld [tilespmem:$0x139D0]  }
.LBB2_10:
0x1e: {  	s28 =	sadd.s32 $0x1, s28  }
0x1f: {  	p1 =	sne.s32 s28, s10  }
.Ltmp1:
0x20: {  	_ = 	snop;
	(pc) =	sbr.rel @!p1 .LBB2_11-.Ltmp1, $2  }
0x21: {  	_ =	sdelay $0x2  }
0x22: {  	p0 =	por !p0, !p0  }
.LBB2_2:
0x23: {  	s29 =	sshll.u32 s28, $0x5  }
0x24: {  	s0 =	sor.u32 s9, s29  }
0x25: {  	s0 =	smul.u32 $0x1F40, s0;
	_ =	sdelay $0x1  }
0x26: {  	s0 =	sshrl.u32 s0, $0x3  }
0x27: {  	s7 =	simm.s32 $0x0;
	s5 =	sadd.s32 s1, s0  }
0x28: {  	[tilespmem:s7], [sflag:$0x4] =	stream.linear.gather [hbm4b:s5+s7], $0x1F40, $0x38;
	[tilespmem:$0x13A00] =	vst v63  }
0x29: {  	_ =	swait.ge [sflag:s18], $0x1F40  }
0x2a: {  	[sflag:s18] =	ssyncset.done $0x0  }
0x2b: {  	s16 =	sadd.s32 s2, s0;
	[sflag:s18] =	ssyncadd.s32 $0xFFFFE0C0  }
0x2c: {  	[tilespmem:s19], [sflag:$0x4] =	stream.linear.gather [hbm4b:s16+s7], $0x1F40, $0x38;
	[tilespmem:$0x13A00] =	vst v63  }
0x2d: {  	_ =	swait.ge [sflag:s18], $0x1F40  }
0x2e: {  	s5 =	simm.s32 $0x1;
	[sflag:s18] =	ssyncset.done $0x0  }
0x2f: {  	s0 =	sadd.s32 s3, s0;
	s5 =	simm.s32 @!p0 $0x0;
	[sflag:s18] =	ssyncadd.s32 $0xFFFFE0C0  }
0x30: {  	[tilespmem:s20], [sflag:$0x4] =	stream.linear.gather [hbm4b:s0+s7], $0x1F40, $0x38;
	[tilespmem:$0x13A00] =	vst v63  }
0x31: {  	s16 =	smul.u32 $0xFFFF8300, s5;
	_ =	swait.ge [sflag:s18], $0x1F40  }
0x32: {  	s5 =	smul.u32 $0x7D00, s5;
	[sflag:s18] =	ssyncset.done $0x0  }
0x33: {  	s0 =	simm.s32 $0x0;
	[sflag:s18] =	ssyncadd.s32 $0xFFFFE0C0  }
0x34: {  	s5 =	sshrl.u32 s5, $0x2;
	s7 =	sshra.s32 s16, $0x2;
	v10 =	vld [tilespmem:s0+$0x3F00]  }
0x35: {  	s16 =	sadd.s32 $0x5E80, s5;
	s5 =	sadd.s32 $0x9D00, s5;
	s30 =	sadd.s32 $0xFAC0, s7;
	v11 =	vld [tilespmem:s0+$0x1F80]  }
0x36: {  	s31 =	sadd.s32 $0xBC40, s7;
	s7 =	sand.u32 $0x1, s28;
	v9 =	vmov s16;
	v8 =	vmov s5;
	s5 =	simm.s32 $0x40;
	v12 =	vld [tilespmem:s0+$0x0]  }
.LBB2_3:
0x37: {  	p1 =	sne.s32 s5, $0x7CC0;
	_ =	sdelay $0x2  }
0x38: {  	v10 =	vmul.f32 v10, v4  }
0x39: {  	v11 =	vmul.f32 v11, v3;
	v12 =	vmul.f32 v12, v2  }
0x3a: {  	v10 =	vadd.f32 v10, v7  }
0x3b: {  	v11 =	vadd.f32 v11, v6;
	v12 =	vadd.f32 v12, v5  }
0x3c: {  	v10 =	vadd.f32 $1.258291200e+07, v10  }
0x3d: {  	v11 =	vadd.f32 $1.258291200e+07, v11;
	v12 =	vadd.f32 $1.258291200e+07, v12  }
0x3e: {  	v10 =	vadd.f32 $-1.258291200e+07, v10  }
0x3f: {  	v11 =	vadd.f32 $-1.258291200e+07, v11;
	v12 =	vadd.f32 $-1.258291200e+07, v12  }
0x40: {  	v10 =	vmax.f32 v10, $0.0e+00  }
0x41: {  	v11 =	vmax.f32 v11, $0.0e+00;
	v10 =	vmin.f32 v10, $2.550000000e+02;
	v12 =	vmax.f32 v12, $0.0e+00  }
0x42: {  	v11 =	vmin.f32 v11, $2.550000000e+02;
	v10 =	vtrunc.f32 v10;
	v12 =	vmin.f32 v12, $2.550000000e+02  }
0x43: {  	v11 =	vtrunc.f32 v11;
	v12 =	vtrunc.f32 v12  }
0x44: {  	v11 =	vcvt.f32.s32 v11;
	v12 =	vcvt.f32.s32 v12  }
0x45: {  	v10 =	vcvt.f32.s32 v10  }
0x46: {  	v13 =	vshll.u32 v11, $0x6;
	v11 =	vshll.u32 v11, $0x3;
	v12 =	vshll.u32 v12, $0xE  }
0x47: {  	v13 =	vand.u32 $0xFFFFFF00, v13;
	v10 =	vor.u32 v10, v12  }
0x48: {  	v10 =	vor.u32 v13, v10  }
.Ltmp2:
0x49: {  	v11 =	vand.u32 $0x18, v11;
	[tilespmem:v9+s0+$0x0 ss:$0x1] =	vst.idx.msk $0xffff, v10;
	(pc) =	sbr.rel @p1 .LBB2_3-.Ltmp2, $4  }
0x4a: {  	[tilespmem:v8+s0+$0x0 ss:$0x1] =	vst.idx.msk $0xffff, v11;
	s0 =	sshra.s32 s5, $0x2  }
0x4b: {  	v10 =	vld [tilespmem:s0+$0x3F00]  }
0x4c: {  	v11 =	vld [tilespmem:s0+$0x1F80]  }
0x4d: {  	s5 =	sadd.s32 $0x40, s5;
	v12 =	vld [tilespmem:s0+$0x0]  }
0x4e: {  	_ =	sdelay $0x2  }
0x4f: {  	v10 =	vmul.f32 v10, v4  }
0x50: {  	v11 =	vmul.f32 v11, v3;
	v12 =	vmul.f32 v12, v2  }
0x51: {  	v10 =	vadd.f32 v10, v7  }
0x52: {  	v11 =	vadd.f32 v11, v6;
	v12 =	vadd.f32 v12, v5  }
0x53: {  	v10 =	vadd.f32 $1.258291200e+07, v10  }
0x54: {  	v11 =	vadd.f32 $1.258291200e+07, v11;
	v12 =	vadd.f32 $1.258291200e+07, v12  }
0x55: {  	v10 =	vadd.f32 $-1.258291200e+07, v10  }
0x56: {  	v11 =	vadd.f32 $-1.258291200e+07, v11;
	v12 =	vadd.f32 $-1.258291200e+07, v12  }
0x57: {  	v10 =	vmax.f32 v10, $0.0e+00  }
0x58: {  	v11 =	vmax.f32 v11, $0.0e+00;
	v10 =	vmin.f32 v10, $2.550000000e+02;
	v12 =	vmax.f32 v12, $0.0e+00  }
0x59: {  	v11 =	vmin.f32 v11, $2.550000000e+02;
	v10 =	vtrunc.f32 v10;
	v12 =	vmin.f32 v12, $2.550000000e+02  }
0x5a: {  	v11 =	vtrunc.f32 v11;
	v12 =	vtrunc.f32 v12  }
0x5b: {  	v11 =	vcvt.f32.s32 v11;
	v12 =	vcvt.f32.s32 v12  }
0x5c: {  	p1 =	sne.s32 s7, $0x0;
	v10 =	vcvt.f32.s32 v10  }
.Ltmp3:
0x5d: {  	v13 =	vshll.u32 v11, $0x6;
	v12 =	vshll.u32 v12, $0xE;
	(pc) =	sbr.rel @p1 .LBB2_6-.Ltmp3, $4  }
0x5e: {  	v13 =	vand.u32 $0xFFFFFF00, v13;
	v10 =	vor.u32 v10, v12  }
0x5f: {  	v11 =	vshll.u32 v11, $0x3;
	v10 =	vor.u32 v13, v10  }
0x60: {  	v11 =	vand.u32 $0x18, v11;
	[tilespmem:v9+s0+$0x0 ss:$0x1] =	vst.idx.msk $0xffff, v10  }
0x61: {  	[tilespmem:v8+s0+$0x0 ss:$0x1] =	vst.idx.msk $0xffff, v11  }
0x62: {  	p1 =	seq.s32 s28, $0x0  }
.Ltmp4:
0x63: {  	_ = 	snop;
	(pc) =	sbr.rel @!p1 .LBB2_7-.Ltmp4, $4  }
.Ltmp5:
0x64: {  	_ = 	snop;
	(pc) =	sbr.rel @p1 .LBB2_10-.Ltmp5, $4  }
0x65: {  	_ = 	snop  }
0x66: {  	[tilespmem:s22], [sflag:$0x1] =	stream.indirect.gather [hbm4b:s4+s12], $0x1, s21, s12, $0xb8;
	[tilespmem:$0x13A00] =	vst v63  }
0x67: {  	s0 =	simm.s32 $0x2  }
0x68: {  	_ = 	snop  }
.LBB2_6:
0x69: {  	[tilespmem:s25], [sflag:$0x2] =	stream.indirect.gather [hbm4b:s4+s12], $0x1, s24, s12, $0xb8;
	[tilespmem:$0x13A00] =	vst v63  }
0x6a: {  	s0 =	simm.s32 $0x1  }
.LBB2_7:
0x6b: {  	v8 =	vmov s31  }
0x6c: {  	v9 =	vmov s30  }
0x6d: {  	_ =	swait.ge [sflag:s0], $0x1F40  }
0x6e: {  	[sflag:s0] =	ssyncset.done $0x0  }
0x6f: {  	[sflag:s0] =	ssyncadd.s32 $0xFFFFE0C0;
	s0 =	simm.s32 $0x0  }
0x70: {  	s5 =	simm.s32 $0x40;
	v10 =	vld.idx.msk [tilespmem:v8+s0+$0x0 ss:$0x1], $0xffff  }
.LBB2_8:
0x71: {  	p1 =	sne.s32 s5, $0x7CC0;
	v11 =	vld.idx.msk [tilespmem:v9+s0+$0x0 ss:$0x1], $0xffff;
	_ =	sdelay $0x4  }
.Ltmp6:
0x72: {  	(pc) =	sbr.rel @p1 .LBB2_8-.Ltmp6, $4  }
0x73: {  	v10 =	vshrl.u32 v11, v10  }
0x74: {  	v10 =	vand.u32 $0x1, v10  }
0x75: {  	[tilespmem:s0+$0x11A00] =	vst v10;
	s0 =	sshra.s32 s5, $0x2  }
0x76: {  	s5 =	sadd.s32 $0x40, s5;
	v10 =	vld.idx.msk [tilespmem:v8+s0+$0x0 ss:$0x1], $0xffff  }
0x77: {  	_ =	sdelay $0x3  }
0x78: {  	v8 =	vld.idx.msk [tilespmem:v9+s0+$0x0 ss:$0x1], $0xffff;
	_ =	sdelay $0x3  }
0x79: {  	s5 =	sadd.s32 s11, s29  }
0x7a: {  	s5 =	smul.u32 $0x3E8, s5;
	v8 =	vshrl.u32 v8, v10  }
0x7b: {  	v8 =	vand.u32 $0x1, v8  }
.Ltmp7:
0x7c: {  	s31 =	sadd.s32 s6, s5;
	[tilespmem:s0+$0x11A00] =	vst v8;
	(pc) =	sbr.rel .LBB2_10-.Ltmp7, $4  }
0x7d: {  	[hbm4b:s31+s8] =	stream.linear.scatter [tilespmem:s23], [sflag:$0x3], $0x1F40, $0x38;
	[tilespmem:$0x13A00] =	vst v63  }
0x7e: {  	_ =	swait.ge [sflag:s17], $0x1F40  }
0x7f: {  	[sflag:s17] =	ssyncset.done $0x0  }
0x80: {  	[sflag:s17] =	ssyncadd.s32 $0xFFFFE0C0  }
.LBB2_11:
0x81: {  	_ = 	snop  }
0x82: {  	_ =	swait.ge [sflag:s14], $0x1F40  }
0x83: {  	[sflag:s14] =	ssyncset.done $0x0  }
0x84: {  	s0 =	simm.s32 $0x0;
	[sflag:s14] =	ssyncadd.s32 $0xFFFFE0C0  }
0x85: {  	s5 =	simm.s32 $0x40;
	v2 =	vld.idx.msk [tilespmem:v1+s0+$0x0 ss:$0x1], $0xffff  }
.LBB2_12:
0x86: {  	p0 =	sne.s32 s5, $0x7CC0;
	v3 =	vld.idx.msk [tilespmem:v0+s0+$0x0 ss:$0x1], $0xffff;
	_ =	sdelay $0x4  }
.Ltmp8:
0x87: {  	(pc) =	sbr.rel @p0 .LBB2_12-.Ltmp8, $4  }
0x88: {  	v2 =	vshrl.u32 v3, v2  }
0x89: {  	v2 =	vand.u32 $0x1, v2  }
0x8a: {  	[tilespmem:s0+$0x11A00] =	vst v2;
	s0 =	sshra.s32 s5, $0x2  }
0x8b: {  	s5 =	sadd.s32 $0x40, s5;
	v2 =	vld.idx.msk [tilespmem:v1+s0+$0x0 ss:$0x1], $0xffff  }
0x8c: {  	_ =	sdelay $0x3  }
0x8d: {  	v3 =	vld.idx.msk [tilespmem:v0+s0+$0x0 ss:$0x1], $0xffff;
	_ =	sdelay $0x4  }
0x8e: {  	s26 =	sadd.s32 $0x1, s26;
	v2 =	vshrl.u32 v3, v2  }
0x8f: {  	p0 =	sne.s32 s26, s15;
	v2 =	vand.u32 $0x1, v2  }
.Ltmp9:
0x90: {  	[tilespmem:s0+$0x11A00] =	vst v2;
	(pc) =	sbr.rel @p0 .LBB2_1-.Ltmp9, $4  }
0x91: {  	[hbm4b:s13+s8] =	stream.linear.scatter [tilespmem:s23], [sflag:$0x3], $0x1F40, $0x38;
	[tilespmem:$0x13A00] =	vst v63  }
0x92: {  	_ =	swait.ge [sflag:s17], $0x1F40  }
0x93: {  	[sflag:s17] =	ssyncset.done $0x0  }
0x94: {  	[sflag:s17] =	ssyncadd.s32 $0xFFFFE0C0  }
0x95: {  	_ =	sfence.sel $0x180000  }
0x96: {  	[bflag:$0x0] =	sbarrier.arrive $0xFFFF  }
0x97: {  	_ =	strace $0x90000047  }
0x98: {  	s0 =	stileid.u32;
	[bflag:$0x2] =	sbarrier.arrive $0xFFFF  }
0x99: {  	p0 =	sne.s32 s0, $0x0;
	s0 =	rddreg [dreg:$0x6]  }
0x9a: {  	s0 =	sadd.s32 @!p0 $0x100000, s0  }
0x9b: {  	[sflag:s0] =	ssyncadd.tile.s32 @!p0 $0x1;
	_ =	shalt  }
.Lfunc_end2:
_tile_overlayer_lowered:
.L_overlay_start_2:
0x9c: {  	(tag) =	ssettag $0x2  }
0x9d: {  	s0 =	rddreg [dreg:$0x0];
	s2 =	stileid.u32  }
0x9e: {  	s1 =	rddreg [dreg:$0x1];
	p0 =	sne.s32 s2, $0x0  }
0x9f: {  	s3 =	rddreg [dreg:$0x2];
	[bflag:$0x3] =	sbarrier.arrive $0xFFFF;
	s2 =	simm.s32 @!p0 $0x1C03  }
0xa0: {  	[timem:s3], [sflag:s2] =	dma.local @!p0 [hbm:s0], s1  }
0xa1: {  	s0 =	simm.s32 @!p0 $0x3  }
0xa2: {  	_ =	swait.ge @!p0 [sflag:s0], s1  }
0xa3: {  	s1 =	ssub.s32 @!p0 $0x0, s1;
	[sflag:s0] =	ssyncset.done @!p0 $0x0  }
0xa4: {  	[sflag:s0] =	ssyncadd.s32 @!p0 s1  }
0xa5: {  	[bflag:$0x3] =	sbarrier.arrive $0xFFFF  }
0xa6: {  	_ =	shalt  }

</sc_bundles>
